<compile_context>
chip_gen: v7x
topology: tpu7x:2x2x1
jax: 0.10.2.dev20260603
libtpu: 0.0.44.dev20260713+nightly
codegen_flags: <defaults>
</compile_context>

<pallas_src>
import functools

import jax
import jax.numpy as jnp
from jax import lax
from jax.experimental import pallas as pl
from jax.experimental.pallas import tpu as pltpu
from jax.experimental.pallas import tpu_sc as plsc

N = 10000
D = 128
H = 128
E = 320000

NC = 2
NS = 16
LANES = 16

EDGE_BLK = 128
PER_SUB = 20480
CHUNKS = PER_SUB // EDGE_BLK
E_PAD = NS * PER_SUB
PASS_ROWS = 3456
NPASS = 3
N_OUT = PASS_ROWS * NPASS
ACC_ROWS = PASS_ROWS + 8
OUT_PER_SUB = PASS_ROWS // NS
ZBUF_ROWS = 72
DUMMY_DST = N

f32 = jnp.float32
i32 = jnp.int32


def _sc_segment_sums(tables, srcs, dsts):
  mesh = plsc.VectorSubcoreMesh(core_axis_name="c", subcore_axis_name="s",
                                num_cores=NC, num_subcores=NS)
  out_type = jax.ShapeDtypeStruct((NC, 2, N_OUT, D), f32)
  scratch = [
      pltpu.VMEM((CHUNKS, EDGE_BLK), i32),
      pltpu.VMEM((CHUNKS, EDGE_BLK), i32),
      pltpu.VMEM((EDGE_BLK, D), f32),
      pltpu.VMEM((EDGE_BLK, D), f32),
      pltpu.VMEM((ZBUF_ROWS, D), f32),
      pltpu.VMEM((EDGE_BLK, D), f32),
      pltpu.VMEM((EDGE_BLK,), i32),
      pltpu.VMEM((EDGE_BLK,), i32),
      pltpu.VMEM_SHARED((ACC_ROWS, D), f32),
      pltpu.SemaphoreType.DMA,
      pltpu.SemaphoreType.DMA,
      pltpu.SemaphoreType.DMA,
      pltpu.SemaphoreType.DMA,
  ]

  @functools.partial(pl.kernel, out_type=out_type, mesh=mesh,
                     scratch_types=scratch)
  def k(tab, shbm, dhbm, osum,
        isrc, idst, rows0, rows1, zbuf, ones, sidx0, sidx1, acc,
        gsem0, gsem1, ssem0, ssem1):
    rows = (rows0, rows1)
    sidx = (sidx0, sidx1)
    gsem = (gsem0, gsem1)
    ssem = (ssem0, ssem1)
    core = lax.axis_index("c")
    sid = lax.axis_index("s")

    @pl.loop(0, EDGE_BLK)
    def _(i):
      @pl.loop(0, D // LANES)
      def _(j):
        ones.at[i, pl.ds(j * LANES, LANES)][...] = jnp.ones((LANES,), f32)

    @pl.loop(0, ZBUF_ROWS)
    def _(i):
      @pl.loop(0, D // LANES)
      def _(j):
        zbuf.at[i, pl.ds(j * LANES, LANES)][...] = jnp.zeros((LANES,), f32)

    base = sid * CHUNKS
    pltpu.sync_copy(shbm.at[core, pl.ds(base, CHUNKS)], isrc)
    pltpu.sync_copy(dhbm.at[core, pl.ds(base, CHUNKS)], idst)

    @pl.loop(0, 2 * NPASS)
    def _(q):
      phase = jnp.where(q < NPASS, 0, 1)
      p = q - phase * NPASS
      lo = pl.multiple_of(p * PASS_ROWS, 8)

      @pl.loop(0, OUT_PER_SUB // ZBUF_ROWS)
      def _(b):
        r0 = sid * OUT_PER_SUB + b * ZBUF_ROWS
        pltpu.sync_copy(zbuf, acc.at[pl.ds(r0, ZBUF_ROWS)])

      @pl.when(sid == 0)
      def _():
        pltpu.sync_copy(zbuf.at[pl.ds(0, 8)], acc.at[pl.ds(PASS_ROWS, 8)])

      plsc.subcore_barrier()

      def remap(j, sx):
        @pl.loop(0, EDGE_BLK // LANES)
        def _(c):
          v = idst[j, pl.ds(c * LANES, LANES)]
          w = jnp.where((v >= lo) & (v < lo + PASS_ROWS), v - lo, PASS_ROWS)
          sx.at[pl.ds(c * LANES, LANES)][...] = w

      @pl.when(q < NPASS)
      def _():
        for b in (0, 1):
          remap(b, sidx[b])
          pltpu.async_copy(tab.at[isrc.at[b]], rows[b], gsem[b])

        @pl.loop(0, CHUNKS, step=2)
        def _(j):
          for b in (0, 1):
            c = j + b
            pltpu.make_async_copy(tab.at[isrc.at[c]], rows[b], gsem[b]).wait()
            pltpu.async_copy(rows[b], acc.at[sidx[b]], ssem[b], add=True)
            pltpu.make_async_copy(rows[b], acc.at[sidx[b]], ssem[b]).wait()

            @pl.when(c + 2 < CHUNKS)
            def _():
              remap(c + 2, sidx[b])
              pltpu.async_copy(tab.at[isrc.at[c + 2]], rows[b], gsem[b])

      @pl.when(q >= NPASS)
      def _():
        @pl.loop(0, CHUNKS, step=2)
        def _(j):
          for b in (0, 1):
            c = j + b

            @pl.when(c >= 2)
            def _():
              pltpu.make_async_copy(ones, acc.at[sidx[b]], ssem[b]).wait()

            remap(c, sidx[b])
            pltpu.async_copy(ones, acc.at[sidx[b]], ssem[b], add=True)

        for b in (0, 1):
          pltpu.make_async_copy(ones, acc.at[sidx[b]], ssem[b]).wait()

      plsc.subcore_barrier()
      r0 = pl.multiple_of(sid * OUT_PER_SUB, 8)
      pltpu.sync_copy(acc.at[pl.ds(r0, OUT_PER_SUB)],
                      osum.at[core, phase, pl.ds(lo + r0, OUT_PER_SUB)])

  return k(tables, srcs, dsts)


def _tc_combine(x_paper, sc_out,
                W_dst_w, b_dst_w, W_src_w, b_src_w, W_upd_w, b_upd_w,
                W_dst_c, b_dst_c, W_src_c, b_src_c, W_upd_c, b_upd_c):

  def body(xp, sums_, wdw, bdw, wsw, bsw, wuw, buw,
           wdc, bdc, wsc, bsc, wuc, buc, out):
    dot = lambda a, b: lax.dot(a, b, precision=lax.Precision.HIGHEST,
                               preferred_element_type=f32)
    u_w = wuw[...]
    u_c = wuc[...]
    u1w, u2w = u_w[:H], u_w[H:]
    u1c, u2c = u_c[:H], u_c[H:]
    w_p = dot(wdw[...], u1w) + dot(wdc[...], u1c)
    w_w = dot(wsw[...], u2w)
    w_c = dot(wsc[...], u2c)
    bias = (dot(bdw[...], u1w) + dot(bsw[...], u2w) + buw[...] +
            dot(bdc[...], u1c) + dot(bsc[...], u2c) + buc[...])
    aw = sums_[0, 0] / jnp.maximum(sums_[0, 1, :, 0:1], 1.0)
    ac = sums_[1, 0] / jnp.maximum(sums_[1, 1, :, 0:1], 1.0)
    out[...] = 0.5 * (dot(xp[...], w_p) + dot(aw, w_w) + dot(ac, w_c) + bias)

  blk = 1000
  full = lambda shape: pl.BlockSpec(shape, lambda i: (0,) * len(shape))
  wspec = [full((D, H)), full((1, H))] * 2 + [full((2 * H, H)), full((1, H))]
  return pl.pallas_call(
      body,
      grid=(N // blk,),
      in_specs=[
          pl.BlockSpec((blk, D), lambda i: (i, 0)),
          pl.BlockSpec((NC, 2, blk, D), lambda i: (0, 0, i, 0)),
      ] + wspec + wspec,
      out_specs=pl.BlockSpec((blk, H), lambda i: (i, 0)),
      out_shape=jax.ShapeDtypeStruct((N, H), f32),
  )(x_paper, sc_out,
    W_dst_w, b_dst_w.reshape(1, H), W_src_w, b_src_w.reshape(1, H),
    W_upd_w, b_upd_w.reshape(1, H),
    W_dst_c, b_dst_c.reshape(1, H), W_src_c, b_src_c.reshape(1, H),
    W_upd_c, b_upd_c.reshape(1, H))


def _prep_edges(edge_index):
  pad = E_PAD - E
  src = jnp.concatenate(
      [edge_index[0], jnp.zeros((pad,), i32)]).reshape(-1, EDGE_BLK)
  dst = jnp.concatenate(
      [edge_index[1], jnp.full((pad,), DUMMY_DST, i32)]).reshape(-1, EDGE_BLK)
  return src, dst


def kernel(x_author, x_paper, edge_index_writes, edge_index_cites,
           W_src_w, b_src_w, W_dst_w, b_dst_w, W_upd_w, b_upd_w,
           W_src_c, b_src_c, W_dst_c, b_dst_c, W_upd_c, b_upd_c):
  srcw, dstw = _prep_edges(edge_index_writes)
  srcc, dstc = _prep_edges(edge_index_cites)
  tables = jnp.concatenate([x_author, x_paper])
  srcs = jnp.stack([srcw, srcc + N])
  dsts = jnp.stack([dstw, dstc])
  sc_out = _sc_segment_sums(tables, srcs, dsts)
  return _tc_combine(x_paper, sc_out,
                     W_dst_w, b_dst_w, W_src_w, b_src_w, W_upd_w, b_upd_w,
                     W_dst_c, b_dst_c, W_src_c, b_src_c, W_upd_c, b_upd_c)

# --- scband reference (transcript-rebuilt; emitter-appended) ---
"""Pipeline reference for scband-hetero-gnn-69544110456890 (READ-ONLY COPY).

The authoritative reference and input builder live on the scoring server;
editing this copy changes nothing except your own understanding.
"""

import jax, jax.numpy as jnp
import numpy as np

N = 10000
E = 320000
D = 128
H = 128


def _lin_params(key, d_in, d_out):
    kw, kb = jax.random.split(key)
    scale = 1.0 / np.sqrt(d_in)
    W = jax.random.uniform(kw, (d_in, d_out), dtype=jnp.float32, minval=-scale, maxval=scale)
    b = jax.random.uniform(kb, (d_out,), dtype=jnp.float32, minval=-scale, maxval=scale)
    return W, b


def setup_inputs(seed: int = 0) -> dict:
    key = jax.random.key(seed)
    ks = jax.random.split(key, 12)
    inp = {}
    inp["x_author"] = jax.random.normal(ks[0], (N, D), dtype=jnp.float32)
    inp["x_paper"] = jax.random.normal(ks[1], (N, D), dtype=jnp.float32)
    inp["edge_index_writes"] = jax.random.randint(ks[2], (2, E), 0, N, dtype=jnp.int32)
    inp["edge_index_cites"] = jax.random.randint(ks[3], (2, E), 0, N, dtype=jnp.int32)
    # HeteroGNNConv params for message type (author, writes, paper)
    inp["W_src_w"], inp["b_src_w"] = _lin_params(ks[4], D, H)
    inp["W_dst_w"], inp["b_dst_w"] = _lin_params(ks[5], D, H)
    inp["W_upd_w"], inp["b_upd_w"] = _lin_params(ks[6], 2 * H, H)
    # HeteroGNNConv params for message type (paper, cites, paper)
    inp["W_src_c"], inp["b_src_c"] = _lin_params(ks[7], D, H)
    inp["W_dst_c"], inp["b_dst_c"] = _lin_params(ks[8], D, H)
    inp["W_upd_c"], inp["b_upd_c"] = _lin_params(ks[9], 2 * H, H)
    return inp


def _hetero_conv(x_src, x_dst, src, dst, W_src, b_src, W_dst, b_dst, W_upd, b_upd):
    # message_and_aggregate: matmul(edge_index, node_feature_src, reduce='mean')
    msgs = jnp.take(x_src, src, axis=0)
    num_dst = x_dst.shape[0]
    summed = jax.ops.segment_sum(msgs, dst, num_segments=num_dst)
    cnt = jax.ops.segment_sum(jnp.ones((src.shape[0],), dtype=x_src.dtype), dst, num_segments=num_dst)
    aggr_out = summed / jnp.clip(cnt, 1.0)[:, None]
    # update: lin_dst(x_dst), lin_src(aggr_out), cat, lin_update
    dst_out = x_dst @ W_dst + b_dst
    aggr_out = aggr_out @ W_src + b_src
    h = jnp.concatenate([dst_out, aggr_out], axis=-1)
    return h @ W_upd + b_upd


def reference(x_author, x_paper, edge_index_writes, edge_index_cites,
              W_src_w, b_src_w, W_dst_w, b_dst_w, W_upd_w, b_upd_w,
              W_src_c, b_src_c, W_dst_c, b_dst_c, W_upd_c, b_upd_c):
    # HeteroGNNWrapperConv.forward over message types, aggr='mean'
    out_writes = _hetero_conv(x_author, x_paper, edge_index_writes[0], edge_index_writes[1],
                              W_src_w, b_src_w, W_dst_w, b_dst_w, W_upd_w, b_upd_w)
    out_cites = _hetero_conv(x_paper, x_paper, edge_index_cites[0], edge_index_cites[1],
                             W_src_c, b_src_c, W_dst_c, b_dst_c, W_upd_c, b_upd_c)
    # 'paper' receives two message-type embeddings -> mean over stacked embs
    paper_emb = (out_writes + out_cites) * 0.5
    return paper_emb

if __name__ == "__main__":
    import jax
    _d = setup_inputs()
    print(jax.jit(kernel)(*tuple(_d.values())))

</pallas_src>

<mosaic_0001>
#map = affine_map<(d0, d1) -> (0, 0)>
#map1 = affine_map<(d0, d1) -> (0, 0, 0)>
#map2 = affine_map<(d0, d1) -> (0, 0, 0, 0)>
module attributes {stable_mosaic.version = 14 : i64} {
  func.func @k(%arg0: i32, %arg1: i32, %arg2: memref<20000x128xf32, #tpu.memory_space<hbm>>, %arg3: memref<2x2560x128xi32, #tpu.memory_space<hbm>>, %arg4: memref<2x2560x128xi32, #tpu.memory_space<hbm>>, %arg5: memref<2x2x10368x128xf32, #tpu.memory_space<hbm>>, %arg6: memref<160x128xi32, #tpu.memory_space<vmem>>, %arg7: memref<160x128xi32, #tpu.memory_space<vmem>>, %arg8: memref<128x128xf32, #tpu.memory_space<vmem>>, %arg9: memref<128x128xf32, #tpu.memory_space<vmem>>, %arg10: memref<72x128xf32, #tpu.memory_space<vmem>>, %arg11: memref<128x128xf32, #tpu.memory_space<vmem>>, %arg12: memref<128xi32, #tpu.memory_space<vmem>>, %arg13: memref<128xi32, #tpu.memory_space<vmem>>, %arg14: memref<3464x128xf32, #tpu.memory_space<vmem_shared>>, %arg15: memref<!tpu.dma_semaphore, #tpu.memory_space<semaphore_mem>>, %arg16: memref<!tpu.dma_semaphore, #tpu.memory_space<semaphore_mem>>, %arg17: memref<!tpu.dma_semaphore, #tpu.memory_space<semaphore_mem>>, %arg18: memref<!tpu.dma_semaphore, #tpu.memory_space<semaphore_mem>>) attributes {dimension_semantics = [#tpu.dimension_semantics<core_parallel>, #tpu.dimension_semantics<subcore_parallel>], iteration_bounds = array<i64: 2, 16>, scalar_prefetch = 0 : i64, scratch_operands = 13 : i64, tpu.core_type = #tpu.core_type<sc_vector_subcore>, window_params = [{transform_indices = #map}, {transform_indices = #map1}, {transform_indices = #map1}, {transform_indices = #map2}]} {
    %scan3A = arith.constant 0 : i32
    %scan3A_0 = arith.constant 128 : i32
    %scan3A_1 = arith.addi %scan3A, %scan3A_0 : i32
    %scan3A_2 = arith.constant 1 : i32
    scf.for %scan3A_15 = %scan3A to %scan3A_1 step %scan3A_2  : i32 {
      %mul3A_16 = arith.constant 1 : i32
      %mul3A_17 = arith.muli %scan3A_15, %mul3A_16 : i32
      %add3A = arith.constant 0 : i32
      %add3A_18 = arith.addi %add3A, %mul3A_17 : i32
      %scan3A_19 = arith.constant 0 : i32
      %scan3A_20 = arith.constant 8 : i32
      %scan3A_21 = arith.addi %scan3A_19, %scan3A_20 : i32
      %scan3A_22 = arith.constant 1 : i32
      scf.for %scan3A_24 = %scan3A_19 to %scan3A_21 step %scan3A_22  : i32 {
        %mul3A_25 = arith.constant 1 : i32
        %mul3A_26 = arith.muli %scan3A_24, %mul3A_25 : i32
        %add3A_27 = arith.constant 0 : i32
        %add3A_28 = arith.addi %add3A_27, %mul3A_26 : i32
        %broadcast_in_dim3A = arith.constant 1.000000e+00 : f32
        %broadcast_in_dim3A_29 = vector.broadcast %broadcast_in_dim3A : f32 to vector<16xf32>
        %mul3A_30 = arith.constant 16 : i32
        %mul3A_31 = arith.muli %add3A_28, %mul3A_30 : i32
        %swap3A = arith.index_cast %add3A_18 : i32 to index
        %swap3A_32 = arith.index_cast %mul3A_31 : i32 to index
        %swap3A_33 = tpu.vector_load %arg11[%swap3A, %swap3A_32] {strides = array<i32>} : memref<128x128xf32, #tpu.memory_space<vmem>>, vector<1x16xf32>,
        %swap3A_34 = vector.shape_cast %swap3A_33 : vector<1x16xf32> to vector<16xf32>
        %swap3A_35 = vector.shape_cast %broadcast_in_dim3A_29 : vector<16xf32> to vector<1x16xf32>
        tpu.vector_store %arg11[%swap3A, %swap3A_32], %swap3A_35 {strides = array<i32>} : memref<128x128xf32, #tpu.memory_space<vmem>>, vector<1x16xf32>,
      }
      %scan3A_23 = arith.constant 8 : i32
    }
    %scan3A_3 = arith.constant 128 : i32
    %scan3A_4 = arith.constant 0 : i32
    %scan3A_5 = arith.constant 72 : i32
    %scan3A_6 = arith.addi %scan3A_4, %scan3A_5 : i32
    %scan3A_7 = arith.constant 1 : i32
    scf.for %scan3A_15 = %scan3A_4 to %scan3A_6 step %scan3A_7  : i32 {
      %mul3A_16 = arith.constant 1 : i32
      %mul3A_17 = arith.muli %scan3A_15, %mul3A_16 : i32
      %add3A = arith.constant 0 : i32
      %add3A_18 = arith.addi %add3A, %mul3A_17 : i32
      %scan3A_19 = arith.constant 0 : i32
      %scan3A_20 = arith.constant 8 : i32
      %scan3A_21 = arith.addi %scan3A_19, %scan3A_20 : i32
      %scan3A_22 = arith.constant 1 : i32
      scf.for %scan3A_24 = %scan3A_19 to %scan3A_21 step %scan3A_22  : i32 {
        %mul3A_25 = arith.constant 1 : i32
        %mul3A_26 = arith.muli %scan3A_24, %mul3A_25 : i32
        %add3A_27 = arith.constant 0 : i32
        %add3A_28 = arith.addi %add3A_27, %mul3A_26 : i32
        %broadcast_in_dim3A = arith.constant 0.000000e+00 : f32
        %broadcast_in_dim3A_29 = vector.broadcast %broadcast_in_dim3A : f32 to vector<16xf32>
        %mul3A_30 = arith.constant 16 : i32
        %mul3A_31 = arith.muli %add3A_28, %mul3A_30 : i32
        %swap3A = arith.index_cast %add3A_18 : i32 to index
        %swap3A_32 = arith.index_cast %mul3A_31 : i32 to index
        %swap3A_33 = tpu.vector_load %arg10[%swap3A, %swap3A_32] {strides = array<i32>} : memref<72x128xf32, #tpu.memory_space<vmem>>, vector<1x16xf32>,
        %swap3A_34 = vector.shape_cast %swap3A_33 : vector<1x16xf32> to vector<16xf32>
        %swap3A_35 = vector.shape_cast %broadcast_in_dim3A_29 : vector<16xf32> to vector<1x16xf32>
        tpu.vector_store %arg10[%swap3A, %swap3A_32], %swap3A_35 {strides = array<i32>} : memref<72x128xf32, #tpu.memory_space<vmem>>, vector<1x16xf32>,
      }
      %scan3A_23 = arith.constant 8 : i32
    }
    %scan3A_8 = arith.constant 72 : i32
    %mul3A = arith.constant 160 : i32
    %mul3A_9 = arith.muli %arg1, %mul3A : i32
    "tpu.region"() ({
      %run_scoped3A = tpu.sem_alloc : memref<!tpu.dma_semaphore, #tpu.memory_space<semaphore_mem>>
      %dma_start3A = arith.constant 0 : i32
      %dma_start3A_15 = tpu.memref_slice %arg3[%arg0, %mul3A_9, %dma_start3A] : memref<2x2560x128xi32, #tpu.memory_space<hbm>> -> memref<1x160x128xi32, #tpu.memory_space<hbm>>
      %dma_start3A_16 = tpu.memref_squeeze %dma_start3A_15 : memref<1x160x128xi32, #tpu.memory_space<hbm>> -> memref<160x128xi32, #tpu.memory_space<hbm>>
      %dma_start3A_17 = arith.constant 0 : i32
      %dma_start3A_18 = tpu.memref_slice %arg3[%arg0, %mul3A_9, %dma_start3A_17] : memref<2x2560x128xi32, #tpu.memory_space<hbm>> -> memref<1x160x128xi32, #tpu.memory_space<hbm>>
      %dma_start3A_19 = tpu.memref_squeeze %dma_start3A_18 : memref<1x160x128xi32, #tpu.memory_space<hbm>> -> memref<160x128xi32, #tpu.memory_space<hbm>>
      tpu.enqueue_dma source(%dma_start3A_19 : memref<160x128xi32, #tpu.memory_space<hbm>>) target(%arg6 : memref<160x128xi32, #tpu.memory_space<vmem>>) target_semaphore(%run_scoped3A : memref<!tpu.dma_semaphore, #tpu.memory_space<semaphore_mem>>)
      %dma_wait3A = arith.constant 0 : i32
      %dma_wait3A_20 = tpu.memref_slice %arg3[%arg0, %mul3A_9, %dma_wait3A] : memref<2x2560x128xi32, #tpu.memory_space<hbm>> -> memref<1x160x128xi32, #tpu.memory_space<hbm>>
      %dma_wait3A_21 = tpu.memref_squeeze %dma_wait3A_20 : memref<1x160x128xi32, #tpu.memory_space<hbm>> -> memref<160x128xi32, #tpu.memory_space<hbm>>
      %dma_wait3A_22 = arith.constant 0 : i32
      %dma_wait3A_23 = tpu.memref_slice %arg3[%arg0, %mul3A_9, %dma_wait3A_22] : memref<2x2560x128xi32, #tpu.memory_space<hbm>> -> memref<1x160x128xi32, #tpu.memory_space<hbm>>
      %dma_wait3A_24 = tpu.memref_squeeze %dma_wait3A_23 : memref<1x160x128xi32, #tpu.memory_space<hbm>> -> memref<160x128xi32, #tpu.memory_space<hbm>>
      tpu.wait_dma2 semaphore(%run_scoped3A : memref<!tpu.dma_semaphore, #tpu.memory_space<semaphore_mem>>) src(%dma_wait3A_24 : memref<160x128xi32, #tpu.memory_space<hbm>>) dst(%arg6 : memref<160x128xi32, #tpu.memory_space<vmem>>)
      tpu.yield
    }) : () -> ()
    "tpu.region"() ({
      %run_scoped3A = tpu.sem_alloc : memref<!tpu.dma_semaphore, #tpu.memory_space<semaphore_mem>>
      %dma_start3A = arith.constant 0 : i32
      %dma_start3A_15 = tpu.memref_slice %arg4[%arg0, %mul3A_9, %dma_start3A] : memref<2x2560x128xi32, #tpu.memory_space<hbm>> -> memref<1x160x128xi32, #tpu.memory_space<hbm>>
      %dma_start3A_16 = tpu.memref_squeeze %dma_start3A_15 : memref<1x160x128xi32, #tpu.memory_space<hbm>> -> memref<160x128xi32, #tpu.memory_space<hbm>>
      %dma_start3A_17 = arith.constant 0 : i32
      %dma_start3A_18 = tpu.memref_slice %arg4[%arg0, %mul3A_9, %dma_start3A_17] : memref<2x2560x128xi32, #tpu.memory_space<hbm>> -> memref<1x160x128xi32, #tpu.memory_space<hbm>>
      %dma_start3A_19 = tpu.memref_squeeze %dma_start3A_18 : memref<1x160x128xi32, #tpu.memory_space<hbm>> -> memref<160x128xi32, #tpu.memory_space<hbm>>
      tpu.enqueue_dma source(%dma_start3A_19 : memref<160x128xi32, #tpu.memory_space<hbm>>) target(%arg7 : memref<160x128xi32, #tpu.memory_space<vmem>>) target_semaphore(%run_scoped3A : memref<!tpu.dma_semaphore, #tpu.memory_space<semaphore_mem>>)
      %dma_wait3A = arith.constant 0 : i32
      %dma_wait3A_20 = tpu.memref_slice %arg4[%arg0, %mul3A_9, %dma_wait3A] : memref<2x2560x128xi32, #tpu.memory_space<hbm>> -> memref<1x160x128xi32, #tpu.memory_space<hbm>>
      %dma_wait3A_21 = tpu.memref_squeeze %dma_wait3A_20 : memref<1x160x128xi32, #tpu.memory_space<hbm>> -> memref<160x128xi32, #tpu.memory_space<hbm>>
      %dma_wait3A_22 = arith.constant 0 : i32
      %dma_wait3A_23 = tpu.memref_slice %arg4[%arg0, %mul3A_9, %dma_wait3A_22] : memref<2x2560x128xi32, #tpu.memory_space<hbm>> -> memref<1x160x128xi32, #tpu.memory_space<hbm>>
      %dma_wait3A_24 = tpu.memref_squeeze %dma_wait3A_23 : memref<1x160x128xi32, #tpu.memory_space<hbm>> -> memref<160x128xi32, #tpu.memory_space<hbm>>
      tpu.wait_dma2 semaphore(%run_scoped3A : memref<!tpu.dma_semaphore, #tpu.memory_space<semaphore_mem>>) src(%dma_wait3A_24 : memref<160x128xi32, #tpu.memory_space<hbm>>) dst(%arg7 : memref<160x128xi32, #tpu.memory_space<vmem>>)
      tpu.yield
    }) : () -> ()
    %scan3A_10 = arith.constant 0 : i32
    %scan3A_11 = arith.constant 6 : i32
    %scan3A_12 = arith.addi %scan3A_10, %scan3A_11 : i32
    %scan3A_13 = arith.constant 1 : i32
    scf.for %scan3A_15 = %scan3A_10 to %scan3A_12 step %scan3A_13  : i32 {
      %mul3A_16 = arith.constant 1 : i32
      %mul3A_17 = arith.muli %scan3A_15, %mul3A_16 : i32
      %add3A = arith.constant 0 : i32
      %add3A_18 = arith.addi %add3A, %mul3A_17 : i32
      %lt3A = arith.constant 3 : i32
      %lt3A_19 = arith.cmpi slt, %add3A_18, %lt3A : i32
      %jit3A = arith.constant 0 : i32
      %jit3A_20 = arith.constant 1 : i32
      %select_n3A = arith.select %lt3A_19, %jit3A, %jit3A_20 : i32
      %mul3A_21 = arith.constant 3 : i32
      %mul3A_22 = arith.muli %select_n3A, %mul3A_21 : i32
      %sub3A = arith.subi %add3A_18, %mul3A_22 : i32
      %mul3A_23 = arith.constant 3456 : i32
      %mul3A_24 = arith.muli %sub3A, %mul3A_23 : i32
      %multiple_of3A = tpu.assume_multiple %mul3A_24, 8 : i32
      %scan3A_25 = arith.constant 0 : i32
      %scan3A_26 = arith.constant 3 : i32
      %scan3A_27 = arith.addi %scan3A_25, %scan3A_26 : i32
      %scan3A_28 = arith.constant 1 : i32
      scf.for %scan3A_46 = %scan3A_25 to %scan3A_27 step %scan3A_28  : i32 {
        %mul3A_47 = arith.constant 1 : i32
        %mul3A_48 = arith.muli %scan3A_46, %mul3A_47 : i32
        %add3A_49 = arith.constant 0 : i32
        %add3A_50 = arith.addi %add3A_49, %mul3A_48 : i32
        %mul3A_51 = arith.constant 216 : i32
        %mul3A_52 = arith.muli %arg1, %mul3A_51 : i32
        %mul3A_53 = arith.constant 72 : i32
        %mul3A_54 = arith.muli %add3A_50, %mul3A_53 : i32
        %add3A_55 = arith.addi %mul3A_52, %mul3A_54 : i32
        "tpu.region"() ({
          %run_scoped3A = tpu.sem_alloc : memref<!tpu.dma_semaphore, #tpu.memory_space<semaphore_mem>>
          %dma_start3A = arith.constant 0 : i32
          %dma_start3A_56 = tpu.memref_slice %arg14[%add3A_55, %dma_start3A] : memref<3464x128xf32, #tpu.memory_space<vmem_shared>> -> memref<72x128xf32, #tpu.memory_space<vmem_shared>>
          %dma_start3A_57 = arith.constant 0 : i32
          %dma_start3A_58 = tpu.memref_slice %arg14[%add3A_55, %dma_start3A_57] : memref<3464x128xf32, #tpu.memory_space<vmem_shared>> -> memref<72x128xf32, #tpu.memory_space<vmem_shared>>
          tpu.enqueue_dma source(%arg10 : memref<72x128xf32, #tpu.memory_space<vmem>>) target(%dma_start3A_58 : memref<72x128xf32, #tpu.memory_space<vmem_shared>>) target_semaphore(%run_scoped3A : memref<!tpu.dma_semaphore, #tpu.memory_space<semaphore_mem>>)
          %dma_wait3A = arith.constant 0 : i32
          %dma_wait3A_59 = tpu.memref_slice %arg14[%add3A_55, %dma_wait3A] : memref<3464x128xf32, #tpu.memory_space<vmem_shared>> -> memref<72x128xf32, #tpu.memory_space<vmem_shared>>
          %dma_wait3A_60 = arith.constant 0 : i32
          %dma_wait3A_61 = tpu.memref_slice %arg14[%add3A_55, %dma_wait3A_60] : memref<3464x128xf32, #tpu.memory_space<vmem_shared>> -> memref<72x128xf32, #tpu.memory_space<vmem_shared>>
          tpu.wait_dma2 semaphore(%run_scoped3A : memref<!tpu.dma_semaphore, #tpu.memory_space<semaphore_mem>>) src(%arg10 : memref<72x128xf32, #tpu.memory_space<vmem>>) dst(%dma_wait3A_61 : memref<72x128xf32, #tpu.memory_space<vmem_shared>>)
          tpu.yield
        }) : () -> ()
      }
      %scan3A_29 = arith.constant 3 : i32
      %eq3A = arith.constant 0 : i32
      %eq3A_30 = arith.cmpi eq, %arg1, %eq3A : i32
      %convert_element_type3A = arith.extui %eq3A_30 : i1 to i32
      %cond3A = arith.constant 0 : i32
      %cond3A_31 = arith.cmpi ne, %convert_element_type3A, %cond3A : i32
      scf.if %cond3A_31 {
        "tpu.region"() ({
          %run_scoped3A = tpu.sem_alloc : memref<!tpu.dma_semaphore, #tpu.memory_space<semaphore_mem>>
          %dma_start3A = arith.constant 0 : i32
          %dma_start3A_46 = arith.constant 0 : i32
          %dma_start3A_47 = tpu.memref_slice %arg10[%dma_start3A, %dma_start3A_46] : memref<72x128xf32, #tpu.memory_space<vmem>> -> memref<8x128xf32, #tpu.memory_space<vmem>>
          %dma_start3A_48 = arith.constant 3456 : i32
          %dma_start3A_49 = arith.constant 0 : i32
          %dma_start3A_50 = tpu.memref_slice %arg14[%dma_start3A_48, %dma_start3A_49] : memref<3464x128xf32, #tpu.memory_space<vmem_shared>> -> memref<8x128xf32, #tpu.memory_space<vmem_shared>>
          %dma_start3A_51 = arith.constant 3456 : i32
          %dma_start3A_52 = arith.constant 0 : i32
          %dma_start3A_53 = tpu.memref_slice %arg14[%dma_start3A_51, %dma_start3A_52] : memref<3464x128xf32, #tpu.memory_space<vmem_shared>> -> memref<8x128xf32, #tpu.memory_space<vmem_shared>>
          %dma_start3A_54 = arith.constant 0 : i32
          %dma_start3A_55 = arith.constant 0 : i32
          %dma_start3A_56 = tpu.memref_slice %arg10[%dma_start3A_54, %dma_start3A_55] : memref<72x128xf32, #tpu.memory_space<vmem>> -> memref<8x128xf32, #tpu.memory_space<vmem>>
          tpu.enqueue_dma source(%dma_start3A_56 : memref<8x128xf32, #tpu.memory_space<vmem>>) target(%dma_start3A_53 : memref<8x128xf32, #tpu.memory_space<vmem_shared>>) target_semaphore(%run_scoped3A : memref<!tpu.dma_semaphore, #tpu.memory_space<semaphore_mem>>)
          %dma_wait3A = arith.constant 0 : i32
          %dma_wait3A_57 = arith.constant 0 : i32
          %dma_wait3A_58 = tpu.memref_slice %arg10[%dma_wait3A, %dma_wait3A_57] : memref<72x128xf32, #tpu.memory_space<vmem>> -> memref<8x128xf32, #tpu.memory_space<vmem>>
          %dma_wait3A_59 = arith.constant 3456 : i32
          %dma_wait3A_60 = arith.constant 0 : i32
          %dma_wait3A_61 = tpu.memref_slice %arg14[%dma_wait3A_59, %dma_wait3A_60] : memref<3464x128xf32, #tpu.memory_space<vmem_shared>> -> memref<8x128xf32, #tpu.memory_space<vmem_shared>>
          %dma_wait3A_62 = arith.constant 3456 : i32
          %dma_wait3A_63 = arith.constant 0 : i32
          %dma_wait3A_64 = tpu.memref_slice %arg14[%dma_wait3A_62, %dma_wait3A_63] : memref<3464x128xf32, #tpu.memory_space<vmem_shared>> -> memref<8x128xf32, #tpu.memory_space<vmem_shared>>
          %dma_wait3A_65 = arith.constant 0 : i32
          %dma_wait3A_66 = arith.constant 0 : i32
          %dma_wait3A_67 = tpu.memref_slice %arg10[%dma_wait3A_65, %dma_wait3A_66] : memref<72x128xf32, #tpu.memory_space<vmem>> -> memref<8x128xf32, #tpu.memory_space<vmem>>
          tpu.wait_dma2 semaphore(%run_scoped3A : memref<!tpu.dma_semaphore, #tpu.memory_space<semaphore_mem>>) src(%dma_wait3A_67 : memref<8x128xf32, #tpu.memory_space<vmem>>) dst(%dma_wait3A_64 : memref<8x128xf32, #tpu.memory_space<vmem_shared>>)
          tpu.yield
        }) : () -> ()
      } else {
      }
      %barrier3A = arith.constant 0 : index
      tpu.barrier barrier_id(%barrier3A)
      %lt3A_32 = arith.constant 3 : i32
      %lt3A_33 = arith.cmpi slt, %add3A_18, %lt3A_32 : i32
      %convert_element_type3A_34 = arith.extui %lt3A_33 : i1 to i32
      %cond3A_35 = arith.constant 0 : i32
      %cond3A_36 = arith.cmpi ne, %convert_element_type3A_34, %cond3A_35 : i32
      scf.if %cond3A_36 {
        %scan3A_46 = arith.constant 0 : i32
        %scan3A_47 = arith.constant 8 : i32
        %scan3A_48 = arith.addi %scan3A_46, %scan3A_47 : i32
        %scan3A_49 = arith.constant 1 : i32
        scf.for %scan3A_74 = %scan3A_46 to %scan3A_48 step %scan3A_49  : i32 {
          %mul3A_75 = arith.constant 1 : i32
          %mul3A_76 = arith.muli %scan3A_74, %mul3A_75 : i32
          %add3A_77 = arith.constant 0 : i32
          %add3A_78 = arith.addi %add3A_77, %mul3A_76 : i32
          %mul3A_79 = arith.constant 16 : i32
          %mul3A_80 = arith.muli %add3A_78, %mul3A_79 : i32
          %get3A = arith.constant 0 : i32
          %get3A_81 = arith.index_cast %get3A : i32 to index
          %get3A_82 = arith.index_cast %mul3A_80 : i32 to index
          %get3A_83 = tpu.vector_load %arg7[%get3A_81, %get3A_82] {strides = array<i32>} : memref<160x128xi32, #tpu.memory_space<vmem>>, vector<1x16xi32>,
          %get3A_84 = vector.shape_cast %get3A_83 : vector<1x16xi32> to vector<16xi32>
          %ge3A_85 = vector.broadcast %multiple_of3A : i32 to vector<16xi32>
          %ge3A_86 = arith.cmpi sge, %get3A_84, %ge3A_85 : vector<16xi32>
          %add3A_87 = arith.constant 3456 : i32
          %add3A_88 = arith.addi %multiple_of3A, %add3A_87 : i32
          %lt3A_89 = vector.broadcast %add3A_88 : i32 to vector<16xi32>
          %lt3A_90 = arith.cmpi slt, %get3A_84, %lt3A_89 : vector<16xi32>
          %and3A = arith.andi %ge3A_86, %lt3A_90 : vector<16xi1>
          %sub3A_91 = vector.broadcast %multiple_of3A : i32 to vector<16xi32>
          %sub3A_92 = arith.subi %get3A_84, %sub3A_91 : vector<16xi32>
          %jit3A_93 = arith.constant 3456 : i32
          %broadcast_in_dim3A = vector.broadcast %jit3A_93 : i32 to vector<16xi32>
          %select_n3A_94 = arith.select %and3A, %sub3A_92, %broadcast_in_dim3A : vector<16xi1>, vector<16xi32>
          %mul3A_95 = arith.constant 16 : i32
          %mul3A_96 = arith.muli %add3A_78, %mul3A_95 : i32
          %swap3A = arith.index_cast %mul3A_96 : i32 to index
          %swap3A_97 = tpu.vector_load %arg12[%swap3A] {strides = array<i32>} : memref<128xi32, #tpu.memory_space<vmem>>, vector<16xi32>,
          %swap3A_98 = vector.shape_cast %swap3A_97 : vector<16xi32> to vector<16xi32>
          %swap3A_99 = vector.shape_cast %select_n3A_94 : vector<16xi32> to vector<16xi32>
          tpu.vector_store %arg12[%swap3A], %swap3A_99 {strides = array<i32>} : memref<128xi32, #tpu.memory_space<vmem>>, vector<16xi32>,
        }
        %scan3A_50 = arith.constant 8 : i32
        %dma_start3A = arith.constant 0 : i32
        %dma_start3A_51 = arith.constant 0 : i32
        %dma_start3A_52 = tpu.memref_slice %arg6[%dma_start3A, %dma_start3A_51] : memref<160x128xi32, #tpu.memory_space<vmem>> -> memref<1x128xi32, #tpu.memory_space<vmem>>
        %dma_start3A_53 = tpu.memref_squeeze %dma_start3A_52 : memref<1x128xi32, #tpu.memory_space<vmem>> -> memref<128xi32, #tpu.memory_space<vmem>>
        %dma_start3A_54 = arith.constant 0 : i32
        %dma_start3A_55 = arith.constant 0 : i32
        %dma_start3A_56 = tpu.memref_slice %arg2[%dma_start3A_54, %dma_start3A_55] : memref<20000x128xf32, #tpu.memory_space<hbm>> -> memref<20000x128xf32, #tpu.memory_space<hbm>>
        tpu.enqueue_indirect_dma source(%dma_start3A_56 : memref<20000x128xf32, #tpu.memory_space<hbm>>) target(%arg8 : memref<128x128xf32, #tpu.memory_space<vmem>>) offsets(%dma_start3A_53 : memref<128xi32, #tpu.memory_space<vmem>>) semaphore(%arg15 : memref<!tpu.dma_semaphore, #tpu.memory_space<semaphore_mem>>)
        %scan3A_57 = arith.constant 0 : i32
        %scan3A_58 = arith.constant 8 : i32
        %scan3A_59 = arith.addi %scan3A_57, %scan3A_58 : i32
        %scan3A_60 = arith.constant 1 : i32
        scf.for %scan3A_74 = %scan3A_57 to %scan3A_59 step %scan3A_60  : i32 {
          %mul3A_75 = arith.constant 1 : i32
          %mul3A_76 = arith.muli %scan3A_74, %mul3A_75 : i32
          %add3A_77 = arith.constant 0 : i32
          %add3A_78 = arith.addi %add3A_77, %mul3A_76 : i32
          %mul3A_79 = arith.constant 16 : i32
          %mul3A_80 = arith.muli %add3A_78, %mul3A_79 : i32
          %get3A = arith.constant 1 : i32
          %get3A_81 = arith.index_cast %get3A : i32 to index
          %get3A_82 = arith.index_cast %mul3A_80 : i32 to index
          %get3A_83 = tpu.vector_load %arg7[%get3A_81, %get3A_82] {strides = array<i32>} : memref<160x128xi32, #tpu.memory_space<vmem>>, vector<1x16xi32>,
          %get3A_84 = vector.shape_cast %get3A_83 : vector<1x16xi32> to vector<16xi32>
          %ge3A_85 = vector.broadcast %multiple_of3A : i32 to vector<16xi32>
          %ge3A_86 = arith.cmpi sge, %get3A_84, %ge3A_85 : vector<16xi32>
          %add3A_87 = arith.constant 3456 : i32
          %add3A_88 = arith.addi %multiple_of3A, %add3A_87 : i32
          %lt3A_89 = vector.broadcast %add3A_88 : i32 to vector<16xi32>
          %lt3A_90 = arith.cmpi slt, %get3A_84, %lt3A_89 : vector<16xi32>
          %and3A = arith.andi %ge3A_86, %lt3A_90 : vector<16xi1>
          %sub3A_91 = vector.broadcast %multiple_of3A : i32 to vector<16xi32>
          %sub3A_92 = arith.subi %get3A_84, %sub3A_91 : vector<16xi32>
          %jit3A_93 = arith.constant 3456 : i32
          %broadcast_in_dim3A = vector.broadcast %jit3A_93 : i32 to vector<16xi32>
          %select_n3A_94 = arith.select %and3A, %sub3A_92, %broadcast_in_dim3A : vector<16xi1>, vector<16xi32>
          %mul3A_95 = arith.constant 16 : i32
          %mul3A_96 = arith.muli %add3A_78, %mul3A_95 : i32
          %swap3A = arith.index_cast %mul3A_96 : i32 to index
          %swap3A_97 = tpu.vector_load %arg13[%swap3A] {strides = array<i32>} : memref<128xi32, #tpu.memory_space<vmem>>, vector<16xi32>,
          %swap3A_98 = vector.shape_cast %swap3A_97 : vector<16xi32> to vector<16xi32>
          %swap3A_99 = vector.shape_cast %select_n3A_94 : vector<16xi32> to vector<16xi32>
          tpu.vector_store %arg13[%swap3A], %swap3A_99 {strides = array<i32>} : memref<128xi32, #tpu.memory_space<vmem>>, vector<16xi32>,
        }
        %scan3A_61 = arith.constant 8 : i32
        %dma_start3A_62 = arith.constant 1 : i32
        %dma_start3A_63 = arith.constant 0 : i32
        %dma_start3A_64 = tpu.memref_slice %arg6[%dma_start3A_62, %dma_start3A_63] : memref<160x128xi32, #tpu.memory_space<vmem>> -> memref<1x128xi32, #tpu.memory_space<vmem>>
        %dma_start3A_65 = tpu.memref_squeeze %dma_start3A_64 : memref<1x128xi32, #tpu.memory_space<vmem>> -> memref<128xi32, #tpu.memory_space<vmem>>
        %dma_start3A_66 = arith.constant 0 : i32
        %dma_start3A_67 = arith.constant 0 : i32
        %dma_start3A_68 = tpu.memref_slice %arg2[%dma_start3A_66, %dma_start3A_67] : memref<20000x128xf32, #tpu.memory_space<hbm>> -> memref<20000x128xf32, #tpu.memory_space<hbm>>
        tpu.enqueue_indirect_dma source(%dma_start3A_68 : memref<20000x128xf32, #tpu.memory_space<hbm>>) target(%arg9 : memref<128x128xf32, #tpu.memory_space<vmem>>) offsets(%dma_start3A_65 : memref<128xi32, #tpu.memory_space<vmem>>) semaphore(%arg16 : memref<!tpu.dma_semaphore, #tpu.memory_space<semaphore_mem>>)
        %scan3A_69 = arith.constant 0 : i32
        %scan3A_70 = arith.constant 80 : i32
        %scan3A_71 = arith.addi %scan3A_69, %scan3A_70 : i32
        %scan3A_72 = arith.constant 1 : i32
        scf.for %scan3A_74 = %scan3A_69 to %scan3A_71 step %scan3A_72  : i32 {
          %mul3A_75 = arith.constant 2 : i32
          %mul3A_76 = arith.muli %scan3A_74, %mul3A_75 : i32
          %add3A_77 = arith.constant 0 : i32
          %add3A_78 = arith.addi %add3A_77, %mul3A_76 : i32
          %add3A_79 = arith.constant 0 : i32
          %add3A_80 = arith.addi %add3A_78, %add3A_79 : i32
          %dma_wait3A = arith.constant 0 : i32
          %dma_wait3A_81 = tpu.memref_slice %arg6[%add3A_80, %dma_wait3A] : memref<160x128xi32, #tpu.memory_space<vmem>> -> memref<1x128xi32, #tpu.memory_space<vmem>>
          %dma_wait3A_82 = tpu.memref_squeeze %dma_wait3A_81 : memref<1x128xi32, #tpu.memory_space<vmem>> -> memref<128xi32, #tpu.memory_space<vmem>>
          %dma_wait3A_83 = arith.constant 0 : i32
          %dma_wait3A_84 = arith.constant 0 : i32
          %dma_wait3A_85 = tpu.memref_slice %arg2[%dma_wait3A_83, %dma_wait3A_84] : memref<20000x128xf32, #tpu.memory_space<hbm>> -> memref<20000x128xf32, #tpu.memory_space<hbm>>
          tpu.wait_indirect_dma semaphore(%arg15 : memref<!tpu.dma_semaphore, #tpu.memory_space<semaphore_mem>>) src(%dma_wait3A_85 : memref<20000x128xf32, #tpu.memory_space<hbm>>) dst(%arg8 : memref<128x128xf32, #tpu.memory_space<vmem>>)
          %dma_start3A_86 = arith.constant 0 : i32
          %dma_start3A_87 = arith.constant 0 : i32
          %dma_start3A_88 = tpu.memref_slice %arg14[%dma_start3A_86, %dma_start3A_87] : memref<3464x128xf32, #tpu.memory_space<vmem_shared>> -> memref<3464x128xf32, #tpu.memory_space<vmem_shared>>
          tpu.enqueue_indirect_dma source(%arg8 : memref<128x128xf32, #tpu.memory_space<vmem>>) target(%dma_start3A_88 : memref<3464x128xf32, #tpu.memory_space<vmem_shared>>) offsets(%arg12 : memref<128xi32, #tpu.memory_space<vmem>>) semaphore(%arg17 : memref<!tpu.dma_semaphore, #tpu.memory_space<semaphore_mem>>) {add = true}
          %dma_wait3A_89 = arith.constant 0 : i32
          %dma_wait3A_90 = arith.constant 0 : i32
          %dma_wait3A_91 = tpu.memref_slice %arg14[%dma_wait3A_89, %dma_wait3A_90] : memref<3464x128xf32, #tpu.memory_space<vmem_shared>> -> memref<3464x128xf32, #tpu.memory_space<vmem_shared>>
          tpu.wait_indirect_dma semaphore(%arg17 : memref<!tpu.dma_semaphore, #tpu.memory_space<semaphore_mem>>) src(%arg8 : memref<128x128xf32, #tpu.memory_space<vmem>>) dst(%dma_wait3A_91 : memref<3464x128xf32, #tpu.memory_space<vmem_shared>>)
          %add3A_92 = arith.constant 2 : i32
          %add3A_93 = arith.addi %add3A_80, %add3A_92 : i32
          %lt3A_94 = arith.constant 160 : i32
          %lt3A_95 = arith.cmpi slt, %add3A_93, %lt3A_94 : i32
          %convert_element_type3A_96 = arith.extui %lt3A_95 : i1 to i32
          %cond3A_97 = arith.constant 0 : i32
          %cond3A_98 = arith.cmpi ne, %convert_element_type3A_96, %cond3A_97 : i32
          scf.if %cond3A_98 {
            %add3A_120 = arith.constant 2 : i32
            %add3A_121 = arith.addi %add3A_80, %add3A_120 : i32
            %scan3A_122 = arith.constant 0 : i32
            %scan3A_123 = arith.constant 8 : i32
            %scan3A_124 = arith.addi %scan3A_122, %scan3A_123 : i32
            %scan3A_125 = arith.constant 1 : i32
            scf.for %scan3A_135 = %scan3A_122 to %scan3A_124 step %scan3A_125  : i32 {
              %mul3A_136 = arith.constant 1 : i32
              %mul3A_137 = arith.muli %scan3A_135, %mul3A_136 : i32
              %add3A_138 = arith.constant 0 : i32
              %add3A_139 = arith.addi %add3A_138, %mul3A_137 : i32
              %mul3A_140 = arith.constant 16 : i32
              %mul3A_141 = arith.muli %add3A_139, %mul3A_140 : i32
              %get3A = arith.index_cast %add3A_121 : i32 to index
              %get3A_142 = arith.index_cast %mul3A_141 : i32 to index
              %get3A_143 = tpu.vector_load %arg7[%get3A, %get3A_142] {strides = array<i32>} : memref<160x128xi32, #tpu.memory_space<vmem>>, vector<1x16xi32>,
              %get3A_144 = vector.shape_cast %get3A_143 : vector<1x16xi32> to vector<16xi32>
              %ge3A_145 = vector.broadcast %multiple_of3A : i32 to vector<16xi32>
              %ge3A_146 = arith.cmpi sge, %get3A_144, %ge3A_145 : vector<16xi32>
              %add3A_147 = arith.constant 3456 : i32
              %add3A_148 = arith.addi %multiple_of3A, %add3A_147 : i32
              %lt3A_149 = vector.broadcast %add3A_148 : i32 to vector<16xi32>
              %lt3A_150 = arith.cmpi slt, %get3A_144, %lt3A_149 : vector<16xi32>
              %and3A = arith.andi %ge3A_146, %lt3A_150 : vector<16xi1>
              %sub3A_151 = vector.broadcast %multiple_of3A : i32 to vector<16xi32>
              %sub3A_152 = arith.subi %get3A_144, %sub3A_151 : vector<16xi32>
              %jit3A_153 = arith.constant 3456 : i32
              %broadcast_in_dim3A = vector.broadcast %jit3A_153 : i32 to vector<16xi32>
              %select_n3A_154 = arith.select %and3A, %sub3A_152, %broadcast_in_dim3A : vector<16xi1>, vector<16xi32>
              %mul3A_155 = arith.constant 16 : i32
              %mul3A_156 = arith.muli %add3A_139, %mul3A_155 : i32
              %swap3A = arith.index_cast %mul3A_156 : i32 to index
              %swap3A_157 = tpu.vector_load %arg12[%swap3A] {strides = array<i32>} : memref<128xi32, #tpu.memory_space<vmem>>, vector<16xi32>,
              %swap3A_158 = vector.shape_cast %swap3A_157 : vector<16xi32> to vector<16xi32>
              %swap3A_159 = vector.shape_cast %select_n3A_154 : vector<16xi32> to vector<16xi32>
              tpu.vector_store %arg12[%swap3A], %swap3A_159 {strides = array<i32>} : memref<128xi32, #tpu.memory_space<vmem>>, vector<16xi32>,
            }
            %scan3A_126 = arith.constant 8 : i32
            %add3A_127 = arith.constant 2 : i32
            %add3A_128 = arith.addi %add3A_80, %add3A_127 : i32
            %dma_start3A_129 = arith.constant 0 : i32
            %dma_start3A_130 = tpu.memref_slice %arg6[%add3A_128, %dma_start3A_129] : memref<160x128xi32, #tpu.memory_space<vmem>> -> memref<1x128xi32, #tpu.memory_space<vmem>>
            %dma_start3A_131 = tpu.memref_squeeze %dma_start3A_130 : memref<1x128xi32, #tpu.memory_space<vmem>> -> memref<128xi32, #tpu.memory_space<vmem>>
            %dma_start3A_132 = arith.constant 0 : i32
            %dma_start3A_133 = arith.constant 0 : i32
            %dma_start3A_134 = tpu.memref_slice %arg2[%dma_start3A_132, %dma_start3A_133] : memref<20000x128xf32, #tpu.memory_space<hbm>> -> memref<20000x128xf32, #tpu.memory_space<hbm>>
            tpu.enqueue_indirect_dma source(%dma_start3A_134 : memref<20000x128xf32, #tpu.memory_space<hbm>>) target(%arg8 : memref<128x128xf32, #tpu.memory_space<vmem>>) offsets(%dma_start3A_131 : memref<128xi32, #tpu.memory_space<vmem>>) semaphore(%arg15 : memref<!tpu.dma_semaphore, #tpu.memory_space<semaphore_mem>>)
          } else {
          }
          %add3A_99 = arith.constant 1 : i32
          %add3A_100 = arith.addi %add3A_78, %add3A_99 : i32
          %dma_wait3A_101 = arith.constant 0 : i32
          %dma_wait3A_102 = tpu.memref_slice %arg6[%add3A_100, %dma_wait3A_101] : memref<160x128xi32, #tpu.memory_space<vmem>> -> memref<1x128xi32, #tpu.memory_space<vmem>>
          %dma_wait3A_103 = tpu.memref_squeeze %dma_wait3A_102 : memref<1x128xi32, #tpu.memory_space<vmem>> -> memref<128xi32, #tpu.memory_space<vmem>>
          %dma_wait3A_104 = arith.constant 0 : i32
          %dma_wait3A_105 = arith.constant 0 : i32
          %dma_wait3A_106 = tpu.memref_slice %arg2[%dma_wait3A_104, %dma_wait3A_105] : memref<20000x128xf32, #tpu.memory_space<hbm>> -> memref<20000x128xf32, #tpu.memory_space<hbm>>
          tpu.wait_indirect_dma semaphore(%arg16 : memref<!tpu.dma_semaphore, #tpu.memory_space<semaphore_mem>>) src(%dma_wait3A_106 : memref<20000x128xf32, #tpu.memory_space<hbm>>) dst(%arg9 : memref<128x128xf32, #tpu.memory_space<vmem>>)
          %dma_start3A_107 = arith.constant 0 : i32
          %dma_start3A_108 = arith.constant 0 : i32
          %dma_start3A_109 = tpu.memref_slice %arg14[%dma_start3A_107, %dma_start3A_108] : memref<3464x128xf32, #tpu.memory_space<vmem_shared>> -> memref<3464x128xf32, #tpu.memory_space<vmem_shared>>
          tpu.enqueue_indirect_dma source(%arg9 : memref<128x128xf32, #tpu.memory_space<vmem>>) target(%dma_start3A_109 : memref<3464x128xf32, #tpu.memory_space<vmem_shared>>) offsets(%arg13 : memref<128xi32, #tpu.memory_space<vmem>>) semaphore(%arg18 : memref<!tpu.dma_semaphore, #tpu.memory_space<semaphore_mem>>) {add = true}
          %dma_wait3A_110 = arith.constant 0 : i32
          %dma_wait3A_111 = arith.constant 0 : i32
          %dma_wait3A_112 = tpu.memref_slice %arg14[%dma_wait3A_110, %dma_wait3A_111] : memref<3464x128xf32, #tpu.memory_space<vmem_shared>> -> memref<3464x128xf32, #tpu.memory_space<vmem_shared>>
          tpu.wait_indirect_dma semaphore(%arg18 : memref<!tpu.dma_semaphore, #tpu.memory_space<semaphore_mem>>) src(%arg9 : memref<128x128xf32, #tpu.memory_space<vmem>>) dst(%dma_wait3A_112 : memref<3464x128xf32, #tpu.memory_space<vmem_shared>>)
          %add3A_113 = arith.constant 2 : i32
          %add3A_114 = arith.addi %add3A_100, %add3A_113 : i32
          %lt3A_115 = arith.constant 160 : i32
          %lt3A_116 = arith.cmpi slt, %add3A_114, %lt3A_115 : i32
          %convert_element_type3A_117 = arith.extui %lt3A_116 : i1 to i32
          %cond3A_118 = arith.constant 0 : i32
          %cond3A_119 = arith.cmpi ne, %convert_element_type3A_117, %cond3A_118 : i32
          scf.if %cond3A_119 {
            %add3A_120 = arith.constant 2 : i32
            %add3A_121 = arith.addi %add3A_100, %add3A_120 : i32
            %scan3A_122 = arith.constant 0 : i32
            %scan3A_123 = arith.constant 8 : i32
            %scan3A_124 = arith.addi %scan3A_122, %scan3A_123 : i32
            %scan3A_125 = arith.constant 1 : i32
            scf.for %scan3A_135 = %scan3A_122 to %scan3A_124 step %scan3A_125  : i32 {
              %mul3A_136 = arith.constant 1 : i32
              %mul3A_137 = arith.muli %scan3A_135, %mul3A_136 : i32
              %add3A_138 = arith.constant 0 : i32
              %add3A_139 = arith.addi %add3A_138, %mul3A_137 : i32
              %mul3A_140 = arith.constant 16 : i32
              %mul3A_141 = arith.muli %add3A_139, %mul3A_140 : i32
              %get3A = arith.index_cast %add3A_121 : i32 to index
              %get3A_142 = arith.index_cast %mul3A_141 : i32 to index
              %get3A_143 = tpu.vector_load %arg7[%get3A, %get3A_142] {strides = array<i32>} : memref<160x128xi32, #tpu.memory_space<vmem>>, vector<1x16xi32>,
              %get3A_144 = vector.shape_cast %get3A_143 : vector<1x16xi32> to vector<16xi32>
              %ge3A_145 = vector.broadcast %multiple_of3A : i32 to vector<16xi32>
              %ge3A_146 = arith.cmpi sge, %get3A_144, %ge3A_145 : vector<16xi32>
              %add3A_147 = arith.constant 3456 : i32
              %add3A_148 = arith.addi %multiple_of3A, %add3A_147 : i32
              %lt3A_149 = vector.broadcast %add3A_148 : i32 to vector<16xi32>
              %lt3A_150 = arith.cmpi slt, %get3A_144, %lt3A_149 : vector<16xi32>
              %and3A = arith.andi %ge3A_146, %lt3A_150 : vector<16xi1>
              %sub3A_151 = vector.broadcast %multiple_of3A : i32 to vector<16xi32>
              %sub3A_152 = arith.subi %get3A_144, %sub3A_151 : vector<16xi32>
              %jit3A_153 = arith.constant 3456 : i32
              %broadcast_in_dim3A = vector.broadcast %jit3A_153 : i32 to vector<16xi32>
              %select_n3A_154 = arith.select %and3A, %sub3A_152, %broadcast_in_dim3A : vector<16xi1>, vector<16xi32>
              %mul3A_155 = arith.constant 16 : i32
              %mul3A_156 = arith.muli %add3A_139, %mul3A_155 : i32
              %swap3A = arith.index_cast %mul3A_156 : i32 to index
              %swap3A_157 = tpu.vector_load %arg13[%swap3A] {strides = array<i32>} : memref<128xi32, #tpu.memory_space<vmem>>, vector<16xi32>,
              %swap3A_158 = vector.shape_cast %swap3A_157 : vector<16xi32> to vector<16xi32>
              %swap3A_159 = vector.shape_cast %select_n3A_154 : vector<16xi32> to vector<16xi32>
              tpu.vector_store %arg13[%swap3A], %swap3A_159 {strides = array<i32>} : memref<128xi32, #tpu.memory_space<vmem>>, vector<16xi32>,
            }
            %scan3A_126 = arith.constant 8 : i32
            %add3A_127 = arith.constant 2 : i32
            %add3A_128 = arith.addi %add3A_100, %add3A_127 : i32
            %dma_start3A_129 = arith.constant 0 : i32
            %dma_start3A_130 = tpu.memref_slice %arg6[%add3A_128, %dma_start3A_129] : memref<160x128xi32, #tpu.memory_space<vmem>> -> memref<1x128xi32, #tpu.memory_space<vmem>>
            %dma_start3A_131 = tpu.memref_squeeze %dma_start3A_130 : memref<1x128xi32, #tpu.memory_space<vmem>> -> memref<128xi32, #tpu.memory_space<vmem>>
            %dma_start3A_132 = arith.constant 0 : i32
            %dma_start3A_133 = arith.constant 0 : i32
            %dma_start3A_134 = tpu.memref_slice %arg2[%dma_start3A_132, %dma_start3A_133] : memref<20000x128xf32, #tpu.memory_space<hbm>> -> memref<20000x128xf32, #tpu.memory_space<hbm>>
            tpu.enqueue_indirect_dma source(%dma_start3A_134 : memref<20000x128xf32, #tpu.memory_space<hbm>>) target(%arg9 : memref<128x128xf32, #tpu.memory_space<vmem>>) offsets(%dma_start3A_131 : memref<128xi32, #tpu.memory_space<vmem>>) semaphore(%arg16 : memref<!tpu.dma_semaphore, #tpu.memory_space<semaphore_mem>>)
          } else {
          }
        }
        %scan3A_73 = arith.constant 80 : i32
      } else {
      }
      %ge3A = arith.constant 3 : i32
      %ge3A_37 = arith.cmpi sge, %add3A_18, %ge3A : i32
      %convert_element_type3A_38 = arith.extui %ge3A_37 : i1 to i32
      %cond3A_39 = arith.constant 0 : i32
      %cond3A_40 = arith.cmpi ne, %convert_element_type3A_38, %cond3A_39 : i32
      scf.if %cond3A_40 {
        %scan3A_46 = arith.constant 0 : i32
        %scan3A_47 = arith.constant 80 : i32
        %scan3A_48 = arith.addi %scan3A_46, %scan3A_47 : i32
        %scan3A_49 = arith.constant 1 : i32
        scf.for %scan3A_56 = %scan3A_46 to %scan3A_48 step %scan3A_49  : i32 {
          %mul3A_57 = arith.constant 2 : i32
          %mul3A_58 = arith.muli %scan3A_56, %mul3A_57 : i32
          %add3A_59 = arith.constant 0 : i32
          %add3A_60 = arith.addi %add3A_59, %mul3A_58 : i32
          %add3A_61 = arith.constant 0 : i32
          %add3A_62 = arith.addi %add3A_60, %add3A_61 : i32
          %ge3A_63 = arith.constant 2 : i32
          %ge3A_64 = arith.cmpi sge, %add3A_62, %ge3A_63 : i32
          %convert_element_type3A_65 = arith.extui %ge3A_64 : i1 to i32
          %cond3A_66 = arith.constant 0 : i32
          %cond3A_67 = arith.cmpi ne, %convert_element_type3A_65, %cond3A_66 : i32
          scf.if %cond3A_67 {
            %dma_wait3A_90 = arith.constant 0 : i32
            %dma_wait3A_91 = arith.constant 0 : i32
            %dma_wait3A_92 = tpu.memref_slice %arg14[%dma_wait3A_90, %dma_wait3A_91] : memref<3464x128xf32, #tpu.memory_space<vmem_shared>> -> memref<3464x128xf32, #tpu.memory_space<vmem_shared>>
            tpu.wait_indirect_dma semaphore(%arg17 : memref<!tpu.dma_semaphore, #tpu.memory_space<semaphore_mem>>) src(%arg11 : memref<128x128xf32, #tpu.memory_space<vmem>>) dst(%dma_wait3A_92 : memref<3464x128xf32, #tpu.memory_space<vmem_shared>>)
          } else {
          }
          %scan3A_68 = arith.constant 0 : i32
          %scan3A_69 = arith.constant 8 : i32
          %scan3A_70 = arith.addi %scan3A_68, %scan3A_69 : i32
          %scan3A_71 = arith.constant 1 : i32
          scf.for %scan3A_90 = %scan3A_68 to %scan3A_70 step %scan3A_71  : i32 {
            %mul3A_91 = arith.constant 1 : i32
            %mul3A_92 = arith.muli %scan3A_90, %mul3A_91 : i32
            %add3A_93 = arith.constant 0 : i32
            %add3A_94 = arith.addi %add3A_93, %mul3A_92 : i32
            %mul3A_95 = arith.constant 16 : i32
            %mul3A_96 = arith.muli %add3A_94, %mul3A_95 : i32
            %get3A = arith.index_cast %add3A_62 : i32 to index
            %get3A_97 = arith.index_cast %mul3A_96 : i32 to index
            %get3A_98 = tpu.vector_load %arg7[%get3A, %get3A_97] {strides = array<i32>} : memref<160x128xi32, #tpu.memory_space<vmem>>, vector<1x16xi32>,
            %get3A_99 = vector.shape_cast %get3A_98 : vector<1x16xi32> to vector<16xi32>
            %ge3A_100 = vector.broadcast %multiple_of3A : i32 to vector<16xi32>
            %ge3A_101 = arith.cmpi sge, %get3A_99, %ge3A_100 : vector<16xi32>
            %add3A_102 = arith.constant 3456 : i32
            %add3A_103 = arith.addi %multiple_of3A, %add3A_102 : i32
            %lt3A_104 = vector.broadcast %add3A_103 : i32 to vector<16xi32>
            %lt3A_105 = arith.cmpi slt, %get3A_99, %lt3A_104 : vector<16xi32>
            %and3A = arith.andi %ge3A_101, %lt3A_105 : vector<16xi1>
            %sub3A_106 = vector.broadcast %multiple_of3A : i32 to vector<16xi32>
            %sub3A_107 = arith.subi %get3A_99, %sub3A_106 : vector<16xi32>
            %jit3A_108 = arith.constant 3456 : i32
            %broadcast_in_dim3A = vector.broadcast %jit3A_108 : i32 to vector<16xi32>
            %select_n3A_109 = arith.select %and3A, %sub3A_107, %broadcast_in_dim3A : vector<16xi1>, vector<16xi32>
            %mul3A_110 = arith.constant 16 : i32
            %mul3A_111 = arith.muli %add3A_94, %mul3A_110 : i32
            %swap3A = arith.index_cast %mul3A_111 : i32 to index
            %swap3A_112 = tpu.vector_load %arg12[%swap3A] {strides = array<i32>} : memref<128xi32, #tpu.memory_space<vmem>>, vector<16xi32>,
            %swap3A_113 = vector.shape_cast %swap3A_112 : vector<16xi32> to vector<16xi32>
            %swap3A_114 = vector.shape_cast %select_n3A_109 : vector<16xi32> to vector<16xi32>
            tpu.vector_store %arg12[%swap3A], %swap3A_114 {strides = array<i32>} : memref<128xi32, #tpu.memory_space<vmem>>, vector<16xi32>,
          }
          %scan3A_72 = arith.constant 8 : i32
          %dma_start3A = arith.constant 0 : i32
          %dma_start3A_73 = arith.constant 0 : i32
          %dma_start3A_74 = tpu.memref_slice %arg14[%dma_start3A, %dma_start3A_73] : memref<3464x128xf32, #tpu.memory_space<vmem_shared>> -> memref<3464x128xf32, #tpu.memory_space<vmem_shared>>
          tpu.enqueue_indirect_dma source(%arg11 : memref<128x128xf32, #tpu.memory_space<vmem>>) target(%dma_start3A_74 : memref<3464x128xf32, #tpu.memory_space<vmem_shared>>) offsets(%arg12 : memref<128xi32, #tpu.memory_space<vmem>>) semaphore(%arg17 : memref<!tpu.dma_semaphore, #tpu.memory_space<semaphore_mem>>) {add = true}
          %add3A_75 = arith.constant 1 : i32
          %add3A_76 = arith.addi %add3A_60, %add3A_75 : i32
          %ge3A_77 = arith.constant 2 : i32
          %ge3A_78 = arith.cmpi sge, %add3A_76, %ge3A_77 : i32
          %convert_element_type3A_79 = arith.extui %ge3A_78 : i1 to i32
          %cond3A_80 = arith.constant 0 : i32
          %cond3A_81 = arith.cmpi ne, %convert_element_type3A_79, %cond3A_80 : i32
          scf.if %cond3A_81 {
            %dma_wait3A_90 = arith.constant 0 : i32
            %dma_wait3A_91 = arith.constant 0 : i32
            %dma_wait3A_92 = tpu.memref_slice %arg14[%dma_wait3A_90, %dma_wait3A_91] : memref<3464x128xf32, #tpu.memory_space<vmem_shared>> -> memref<3464x128xf32, #tpu.memory_space<vmem_shared>>
            tpu.wait_indirect_dma semaphore(%arg18 : memref<!tpu.dma_semaphore, #tpu.memory_space<semaphore_mem>>) src(%arg11 : memref<128x128xf32, #tpu.memory_space<vmem>>) dst(%dma_wait3A_92 : memref<3464x128xf32, #tpu.memory_space<vmem_shared>>)
          } else {
          }
          %scan3A_82 = arith.constant 0 : i32
          %scan3A_83 = arith.constant 8 : i32
          %scan3A_84 = arith.addi %scan3A_82, %scan3A_83 : i32
          %scan3A_85 = arith.constant 1 : i32
          scf.for %scan3A_90 = %scan3A_82 to %scan3A_84 step %scan3A_85  : i32 {
            %mul3A_91 = arith.constant 1 : i32
            %mul3A_92 = arith.muli %scan3A_90, %mul3A_91 : i32
            %add3A_93 = arith.constant 0 : i32
            %add3A_94 = arith.addi %add3A_93, %mul3A_92 : i32
            %mul3A_95 = arith.constant 16 : i32
            %mul3A_96 = arith.muli %add3A_94, %mul3A_95 : i32
            %get3A = arith.index_cast %add3A_76 : i32 to index
            %get3A_97 = arith.index_cast %mul3A_96 : i32 to index
            %get3A_98 = tpu.vector_load %arg7[%get3A, %get3A_97] {strides = array<i32>} : memref<160x128xi32, #tpu.memory_space<vmem>>, vector<1x16xi32>,
            %get3A_99 = vector.shape_cast %get3A_98 : vector<1x16xi32> to vector<16xi32>
            %ge3A_100 = vector.broadcast %multiple_of3A : i32 to vector<16xi32>
            %ge3A_101 = arith.cmpi sge, %get3A_99, %ge3A_100 : vector<16xi32>
            %add3A_102 = arith.constant 3456 : i32
            %add3A_103 = arith.addi %multiple_of3A, %add3A_102 : i32
            %lt3A_104 = vector.broadcast %add3A_103 : i32 to vector<16xi32>
            %lt3A_105 = arith.cmpi slt, %get3A_99, %lt3A_104 : vector<16xi32>
            %and3A = arith.andi %ge3A_101, %lt3A_105 : vector<16xi1>
            %sub3A_106 = vector.broadcast %multiple_of3A : i32 to vector<16xi32>
            %sub3A_107 = arith.subi %get3A_99, %sub3A_106 : vector<16xi32>
            %jit3A_108 = arith.constant 3456 : i32
            %broadcast_in_dim3A = vector.broadcast %jit3A_108 : i32 to vector<16xi32>
            %select_n3A_109 = arith.select %and3A, %sub3A_107, %broadcast_in_dim3A : vector<16xi1>, vector<16xi32>
            %mul3A_110 = arith.constant 16 : i32
            %mul3A_111 = arith.muli %add3A_94, %mul3A_110 : i32
            %swap3A = arith.index_cast %mul3A_111 : i32 to index
            %swap3A_112 = tpu.vector_load %arg13[%swap3A] {strides = array<i32>} : memref<128xi32, #tpu.memory_space<vmem>>, vector<16xi32>,
            %swap3A_113 = vector.shape_cast %swap3A_112 : vector<16xi32> to vector<16xi32>
            %swap3A_114 = vector.shape_cast %select_n3A_109 : vector<16xi32> to vector<16xi32>
            tpu.vector_store %arg13[%swap3A], %swap3A_114 {strides = array<i32>} : memref<128xi32, #tpu.memory_space<vmem>>, vector<16xi32>,
          }
          %scan3A_86 = arith.constant 8 : i32
          %dma_start3A_87 = arith.constant 0 : i32
          %dma_start3A_88 = arith.constant 0 : i32
          %dma_start3A_89 = tpu.memref_slice %arg14[%dma_start3A_87, %dma_start3A_88] : memref<3464x128xf32, #tpu.memory_space<vmem_shared>> -> memref<3464x128xf32, #tpu.memory_space<vmem_shared>>
          tpu.enqueue_indirect_dma source(%arg11 : memref<128x128xf32, #tpu.memory_space<vmem>>) target(%dma_start3A_89 : memref<3464x128xf32, #tpu.memory_space<vmem_shared>>) offsets(%arg13 : memref<128xi32, #tpu.memory_space<vmem>>) semaphore(%arg18 : memref<!tpu.dma_semaphore, #tpu.memory_space<semaphore_mem>>) {add = true}
        }
        %scan3A_50 = arith.constant 80 : i32
        %dma_wait3A = arith.constant 0 : i32
        %dma_wait3A_51 = arith.constant 0 : i32
        %dma_wait3A_52 = tpu.memref_slice %arg14[%dma_wait3A, %dma_wait3A_51] : memref<3464x128xf32, #tpu.memory_space<vmem_shared>> -> memref<3464x128xf32, #tpu.memory_space<vmem_shared>>
        tpu.wait_indirect_dma semaphore(%arg17 : memref<!tpu.dma_semaphore, #tpu.memory_space<semaphore_mem>>) src(%arg11 : memref<128x128xf32, #tpu.memory_space<vmem>>) dst(%dma_wait3A_52 : memref<3464x128xf32, #tpu.memory_space<vmem_shared>>)
        %dma_wait3A_53 = arith.constant 0 : i32
        %dma_wait3A_54 = arith.constant 0 : i32
        %dma_wait3A_55 = tpu.memref_slice %arg14[%dma_wait3A_53, %dma_wait3A_54] : memref<3464x128xf32, #tpu.memory_space<vmem_shared>> -> memref<3464x128xf32, #tpu.memory_space<vmem_shared>>
        tpu.wait_indirect_dma semaphore(%arg18 : memref<!tpu.dma_semaphore, #tpu.memory_space<semaphore_mem>>) src(%arg11 : memref<128x128xf32, #tpu.memory_space<vmem>>) dst(%dma_wait3A_55 : memref<3464x128xf32, #tpu.memory_space<vmem_shared>>)
      } else {
      }
      %barrier3A_41 = arith.constant 0 : index
      tpu.barrier barrier_id(%barrier3A_41)
      %mul3A_42 = arith.constant 216 : i32
      %mul3A_43 = arith.muli %arg1, %mul3A_42 : i32
      %multiple_of3A_44 = tpu.assume_multiple %mul3A_43, 8 : i32
      %add3A_45 = arith.addi %multiple_of3A, %multiple_of3A_44 : i32
      "tpu.region"() ({
        %run_scoped3A = tpu.sem_alloc : memref<!tpu.dma_semaphore, #tpu.memory_space<semaphore_mem>>
        %dma_start3A = arith.constant 0 : i32
        %dma_start3A_46 = tpu.memref_slice %arg5[%arg0, %select_n3A, %add3A_45, %dma_start3A] : memref<2x2x10368x128xf32, #tpu.memory_space<hbm>> -> memref<1x1x216x128xf32, #tpu.memory_space<hbm>>
        %dma_start3A_47 = tpu.memref_squeeze %dma_start3A_46 : memref<1x1x216x128xf32, #tpu.memory_space<hbm>> -> memref<216x128xf32, #tpu.memory_space<hbm>>
        %dma_start3A_48 = arith.constant 0 : i32
        %dma_start3A_49 = tpu.memref_slice %arg14[%multiple_of3A_44, %dma_start3A_48] : memref<3464x128xf32, #tpu.memory_space<vmem_shared>> -> memref<216x128xf32, #tpu.memory_space<vmem_shared>>
        tpu.enqueue_dma source(%dma_start3A_49 : memref<216x128xf32, #tpu.memory_space<vmem_shared>>) target(%dma_start3A_47 : memref<216x128xf32, #tpu.memory_space<hbm>>) target_semaphore(%run_scoped3A : memref<!tpu.dma_semaphore, #tpu.memory_space<semaphore_mem>>)
        %dma_wait3A = arith.constant 0 : i32
        %dma_wait3A_50 = tpu.memref_slice %arg5[%arg0, %select_n3A, %add3A_45, %dma_wait3A] : memref<2x2x10368x128xf32, #tpu.memory_space<hbm>> -> memref<1x1x216x128xf32, #tpu.memory_space<hbm>>
        %dma_wait3A_51 = tpu.memref_squeeze %dma_wait3A_50 : memref<1x1x216x128xf32, #tpu.memory_space<hbm>> -> memref<216x128xf32, #tpu.memory_space<hbm>>
        %dma_wait3A_52 = arith.constant 0 : i32
        %dma_wait3A_53 = tpu.memref_slice %arg14[%multiple_of3A_44, %dma_wait3A_52] : memref<3464x128xf32, #tpu.memory_space<vmem_shared>> -> memref<216x128xf32, #tpu.memory_space<vmem_shared>>
        tpu.wait_dma2 semaphore(%run_scoped3A : memref<!tpu.dma_semaphore, #tpu.memory_space<semaphore_mem>>) src(%dma_wait3A_53 : memref<216x128xf32, #tpu.memory_space<vmem_shared>>) dst(%dma_wait3A_51 : memref<216x128xf32, #tpu.memory_space<hbm>>)
        tpu.yield
      }) : () -> ()
    }
    %scan3A_14 = arith.constant 6 : i32
    return
  }
}

module attributes {stable_mosaic.version = 14 : i64} {
  func.func @body(%arg0: i32, %arg1: memref<1000x128xf32, #tpu.memory_space<vmem>>, %arg2: memref<2x2x1000x128xf32, #tpu.memory_space<vmem>>, %arg3: memref<128x128xf32, #tpu.memory_space<vmem>>, %arg4: memref<1x128xf32, #tpu.memory_space<vmem>>, %arg5: memref<128x128xf32, #tpu.memory_space<vmem>>, %arg6: memref<1x128xf32, #tpu.memory_space<vmem>>, %arg7: memref<256x128xf32, #tpu.memory_space<vmem>>, %arg8: memref<1x128xf32, #tpu.memory_space<vmem>>, %arg9: memref<128x128xf32, #tpu.memory_space<vmem>>, %arg10: memref<1x128xf32, #tpu.memory_space<vmem>>, %arg11: memref<128x128xf32, #tpu.memory_space<vmem>>, %arg12: memref<1x128xf32, #tpu.memory_space<vmem>>, %arg13: memref<256x128xf32, #tpu.memory_space<vmem>>, %arg14: memref<1x128xf32, #tpu.memory_space<vmem>>, %arg15: memref<1000x128xf32, #tpu.memory_space<vmem>>) attributes {dimension_semantics = [#tpu.dimension_semantics<arbitrary>], iteration_bounds = array<i64: 10>, scalar_prefetch = 0 : i64, scratch_operands = 0 : i64, tpu.core_type = #tpu.core_type<tc>, window_params = [{transform_indices = @transform_0, window_bounds = array<i64: 1000, 128>}, {transform_indices = @transform_1, window_bounds = array<i64: 2, 2, 1000, 128>}, {pipeline_mode = #tpu.pipeline_mode<synchronous>, transform_indices = @transform_2, window_bounds = array<i64: 128, 128>}, {pipeline_mode = #tpu.pipeline_mode<synchronous>, transform_indices = @transform_3, window_bounds = array<i64: 1, 128>}, {pipeline_mode = #tpu.pipeline_mode<synchronous>, transform_indices = @transform_4, window_bounds = array<i64: 128, 128>}, {pipeline_mode = #tpu.pipeline_mode<synchronous>, transform_indices = @transform_5, window_bounds = array<i64: 1, 128>}, {pipeline_mode = #tpu.pipeline_mode<synchronous>, transform_indices = @transform_6, window_bounds = array<i64: 256, 128>}, {pipeline_mode = #tpu.pipeline_mode<synchronous>, transform_indices = @transform_7, window_bounds = array<i64: 1, 128>}, {pipeline_mode = #tpu.pipeline_mode<synchronous>, transform_indices = @transform_8, window_bounds = array<i64: 128, 128>}, {pipeline_mode = #tpu.pipeline_mode<synchronous>, transform_indices = @transform_9, window_bounds = array<i64: 1, 128>}, {pipeline_mode = #tpu.pipeline_mode<synchronous>, transform_indices = @transform_10, window_bounds = array<i64: 128, 128>}, {pipeline_mode = #tpu.pipeline_mode<synchronous>, transform_indices = @transform_11, window_bounds = array<i64: 1, 128>}, {pipeline_mode = #tpu.pipeline_mode<synchronous>, transform_indices = @transform_12, window_bounds = array<i64: 256, 128>}, {pipeline_mode = #tpu.pipeline_mode<synchronous>, transform_indices = @transform_13, window_bounds = array<i64: 1, 128>}, {transform_indices = @transform_14, window_bounds = array<i64: 1000, 128>}]} {
    %get3A = arith.constant 0 : index
    %get3A_0 = arith.constant 0 : index
    %get3A_1 = vector.load %arg7[%get3A, %get3A_0] : memref<256x128xf32, #tpu.memory_space<vmem>>, vector<256x128xf32>
    %get3A_2 = arith.constant 0 : index
    %get3A_3 = arith.constant 0 : index
    %get3A_4 = vector.load %arg13[%get3A_2, %get3A_3] : memref<256x128xf32, #tpu.memory_space<vmem>>, vector<256x128xf32>
    %slice3A = vector.extract_strided_slice %get3A_1 {offsets = [0, 0], sizes = [128, 128], strides = [1, 1]} : vector<256x128xf32> to vector<128x128xf32>
    %slice3A_5 = vector.extract_strided_slice %get3A_1 {offsets = [128, 0], sizes = [128, 128], strides = [1, 1]} : vector<256x128xf32> to vector<128x128xf32>
    %slice3A_6 = vector.extract_strided_slice %get3A_4 {offsets = [0, 0], sizes = [128, 128], strides = [1, 1]} : vector<256x128xf32> to vector<128x128xf32>
    %slice3A_7 = vector.extract_strided_slice %get3A_4 {offsets = [128, 0], sizes = [128, 128], strides = [1, 1]} : vector<256x128xf32> to vector<128x128xf32>
    %get3A_8 = arith.constant 0 : index
    %get3A_9 = arith.constant 0 : index
    %get3A_10 = vector.load %arg3[%get3A_8, %get3A_9] : memref<128x128xf32, #tpu.memory_space<vmem>>, vector<128x128xf32>
    %dot_general3A = arith.constant dense<0.000000e+00> : vector<128x128xf32>
    %dot_general3A_11 = tpu.matmul %get3A_10, %slice3A, %dot_general3A {dimension_numbers = #tpu.dot_dimension_numbers<[1], [0], [0], [1], [0, 0, 1, 1], [], []>, precision = #tpu.contract_precision<fp32>, transpose_lhs_hint = false} : vector<128x128xf32>, vector<128x128xf32>, vector<128x128xf32> -> vector<128x128xf32>
    %get3A_12 = arith.constant 0 : index
    %get3A_13 = arith.constant 0 : index
    %get3A_14 = vector.load %arg9[%get3A_12, %get3A_13] : memref<128x128xf32, #tpu.memory_space<vmem>>, vector<128x128xf32>
    %dot_general3A_15 = arith.constant dense<0.000000e+00> : vector<128x128xf32>
    %dot_general3A_16 = tpu.matmul %get3A_14, %slice3A_6, %dot_general3A_15 {dimension_numbers = #tpu.dot_dimension_numbers<[1], [0], [0], [1], [0, 0, 1, 1], [], []>, precision = #tpu.contract_precision<fp32>, transpose_lhs_hint = false} : vector<128x128xf32>, vector<128x128xf32>, vector<128x128xf32> -> vector<128x128xf32>
    %add3A = arith.addf %dot_general3A_11, %dot_general3A_16 : vector<128x128xf32>
    %get3A_17 = arith.constant 0 : index
    %get3A_18 = arith.constant 0 : index
    %get3A_19 = vector.load %arg5[%get3A_17, %get3A_18] : memref<128x128xf32, #tpu.memory_space<vmem>>, vector<128x128xf32>
    %dot_general3A_20 = arith.constant dense<0.000000e+00> : vector<128x128xf32>
    %dot_general3A_21 = tpu.matmul %get3A_19, %slice3A_5, %dot_general3A_20 {dimension_numbers = #tpu.dot_dimension_numbers<[1], [0], [0], [1], [0, 0, 1, 1], [], []>, precision = #tpu.contract_precision<fp32>, transpose_lhs_hint = false} : vector<128x128xf32>, vector<128x128xf32>, vector<128x128xf32> -> vector<128x128xf32>
    %get3A_22 = arith.constant 0 : index
    %get3A_23 = arith.constant 0 : index
    %get3A_24 = vector.load %arg11[%get3A_22, %get3A_23] : memref<128x128xf32, #tpu.memory_space<vmem>>, vector<128x128xf32>
    %dot_general3A_25 = arith.constant dense<0.000000e+00> : vector<128x128xf32>
    %dot_general3A_26 = tpu.matmul %get3A_24, %slice3A_7, %dot_general3A_25 {dimension_numbers = #tpu.dot_dimension_numbers<[1], [0], [0], [1], [0, 0, 1, 1], [], []>, precision = #tpu.contract_precision<fp32>, transpose_lhs_hint = false} : vector<128x128xf32>, vector<128x128xf32>, vector<128x128xf32> -> vector<128x128xf32>
    %get3A_27 = arith.constant 0 : index
    %get3A_28 = arith.constant 0 : index
    %get3A_29 = vector.load %arg4[%get3A_27, %get3A_28] : memref<1x128xf32, #tpu.memory_space<vmem>>, vector<1x128xf32>
    %dot_general3A_30 = arith.constant dense<0.000000e+00> : vector<1x128xf32>
    %dot_general3A_31 = tpu.matmul %get3A_29, %slice3A, %dot_general3A_30 {dimension_numbers = #tpu.dot_dimension_numbers<[1], [0], [0], [1], [0, 0, 1, 1], [], []>, precision = #tpu.contract_precision<fp32>, transpose_lhs_hint = false} : vector<1x128xf32>, vector<128x128xf32>, vector<1x128xf32> -> vector<1x128xf32>
    %get3A_32 = arith.constant 0 : index
    %get3A_33 = arith.constant 0 : index
    %get3A_34 = vector.load %arg6[%get3A_32, %get3A_33] : memref<1x128xf32, #tpu.memory_space<vmem>>, vector<1x128xf32>
    %dot_general3A_35 = arith.constant dense<0.000000e+00> : vector<1x128xf32>
    %dot_general3A_36 = tpu.matmul %get3A_34, %slice3A_5, %dot_general3A_35 {dimension_numbers = #tpu.dot_dimension_numbers<[1], [0], [0], [1], [0, 0, 1, 1], [], []>, precision = #tpu.contract_precision<fp32>, transpose_lhs_hint = false} : vector<1x128xf32>, vector<128x128xf32>, vector<1x128xf32> -> vector<1x128xf32>
    %add3A_37 = arith.addf %dot_general3A_31, %dot_general3A_36 : vector<1x128xf32>
    %get3A_38 = arith.constant 0 : index
    %get3A_39 = arith.constant 0 : index
    %get3A_40 = vector.load %arg8[%get3A_38, %get3A_39] : memref<1x128xf32, #tpu.memory_space<vmem>>, vector<1x128xf32>
    %add3A_41 = arith.addf %add3A_37, %get3A_40 : vector<1x128xf32>
    %get3A_42 = arith.constant 0 : index
    %get3A_43 = arith.constant 0 : index
    %get3A_44 = vector.load %arg10[%get3A_42, %get3A_43] : memref<1x128xf32, #tpu.memory_space<vmem>>, vector<1x128xf32>
    %dot_general3A_45 = arith.constant dense<0.000000e+00> : vector<1x128xf32>
    %dot_general3A_46 = tpu.matmul %get3A_44, %slice3A_6, %dot_general3A_45 {dimension_numbers = #tpu.dot_dimension_numbers<[1], [0], [0], [1], [0, 0, 1, 1], [], []>, precision = #tpu.contract_precision<fp32>, transpose_lhs_hint = false} : vector<1x128xf32>, vector<128x128xf32>, vector<1x128xf32> -> vector<1x128xf32>
    %add3A_47 = arith.addf %add3A_41, %dot_general3A_46 : vector<1x128xf32>
    %get3A_48 = arith.constant 0 : index
    %get3A_49 = arith.constant 0 : index
    %get3A_50 = vector.load %arg12[%get3A_48, %get3A_49] : memref<1x128xf32, #tpu.memory_space<vmem>>, vector<1x128xf32>
    %dot_general3A_51 = arith.constant dense<0.000000e+00> : vector<1x128xf32>
    %dot_general3A_52 = tpu.matmul %get3A_50, %slice3A_7, %dot_general3A_51 {dimension_numbers = #tpu.dot_dimension_numbers<[1], [0], [0], [1], [0, 0, 1, 1], [], []>, precision = #tpu.contract_precision<fp32>, transpose_lhs_hint = false} : vector<1x128xf32>, vector<128x128xf32>, vector<1x128xf32> -> vector<1x128xf32>
    %add3A_53 = arith.addf %add3A_47, %dot_general3A_52 : vector<1x128xf32>
    %get3A_54 = arith.constant 0 : index
    %get3A_55 = arith.constant 0 : index
    %get3A_56 = vector.load %arg14[%get3A_54, %get3A_55] : memref<1x128xf32, #tpu.memory_space<vmem>>, vector<1x128xf32>
    %add3A_57 = arith.addf %add3A_53, %get3A_56 : vector<1x128xf32>
    %get3A_58 = arith.constant 0 : index
    %get3A_59 = arith.constant 0 : index
    %get3A_60 = arith.constant 0 : index
    %get3A_61 = arith.constant 0 : index
    %get3A_62 = vector.load %arg2[%get3A_58, %get3A_59, %get3A_60, %get3A_61] : memref<2x2x1000x128xf32, #tpu.memory_space<vmem>>, vector<1x1x1000x128xf32>
    %get3A_63 = vector.shape_cast %get3A_62 : vector<1x1x1000x128xf32> to vector<1000x128xf32>
    %get3A_64 = arith.constant 0 : index
    %get3A_65 = arith.constant 1 : index
    %get3A_66 = arith.constant 0 : index
    %get3A_67 = arith.constant 0 : index
    %get3A_68 = vector.load %arg2[%get3A_64, %get3A_65, %get3A_66, %get3A_67] : memref<2x2x1000x128xf32, #tpu.memory_space<vmem>>, vector<1x1x1000x1xf32>
    %get3A_69 = vector.shape_cast %get3A_68 : vector<1x1x1000x1xf32> to vector<1000x1xf32>
    %max3A = arith.constant 1.000000e+00 : f32
    %max3A_70 = vector.broadcast %max3A : f32 to vector<1000x1xf32>
    %max3A_71 = arith.maximumf %get3A_69, %max3A_70 : vector<1000x1xf32>
    %div3A = vector.broadcast %max3A_71 : vector<1000x1xf32> to vector<1000x128xf32>
    %div3A_72 = arith.divf %get3A_63, %div3A : vector<1000x128xf32>
    %get3A_73 = arith.constant 1 : index
    %get3A_74 = arith.constant 0 : index
    %get3A_75 = arith.constant 0 : index
    %get3A_76 = arith.constant 0 : index
    %get3A_77 = vector.load %arg2[%get3A_73, %get3A_74, %get3A_75, %get3A_76] : memref<2x2x1000x128xf32, #tpu.memory_space<vmem>>, vector<1x1x1000x128xf32>
    %get3A_78 = vector.shape_cast %get3A_77 : vector<1x1x1000x128xf32> to vector<1000x128xf32>
    %get3A_79 = arith.constant 1 : index
    %get3A_80 = arith.constant 1 : index
    %get3A_81 = arith.constant 0 : index
    %get3A_82 = arith.constant 0 : index
    %get3A_83 = vector.load %arg2[%get3A_79, %get3A_80, %get3A_81, %get3A_82] : memref<2x2x1000x128xf32, #tpu.memory_space<vmem>>, vector<1x1x1000x1xf32>
    %get3A_84 = vector.shape_cast %get3A_83 : vector<1x1x1000x1xf32> to vector<1000x1xf32>
    %max3A_85 = arith.constant 1.000000e+00 : f32
    %max3A_86 = vector.broadcast %max3A_85 : f32 to vector<1000x1xf32>
    %max3A_87 = arith.maximumf %get3A_84, %max3A_86 : vector<1000x1xf32>
    %div3A_88 = vector.broadcast %max3A_87 : vector<1000x1xf32> to vector<1000x128xf32>
    %div3A_89 = arith.divf %get3A_78, %div3A_88 : vector<1000x128xf32>
    %get3A_90 = arith.constant 0 : index
    %get3A_91 = arith.constant 0 : index
    %get3A_92 = vector.load %arg1[%get3A_90, %get3A_91] : memref<1000x128xf32, #tpu.memory_space<vmem>>, vector<1000x128xf32>
    %dot_general3A_93 = arith.constant dense<0.000000e+00> : vector<1000x128xf32>
    %dot_general3A_94 = tpu.matmul %get3A_92, %add3A, %dot_general3A_93 {dimension_numbers = #tpu.dot_dimension_numbers<[1], [0], [0], [1], [0, 0, 1, 1], [], []>, precision = #tpu.contract_precision<fp32>, transpose_lhs_hint = false} : vector<1000x128xf32>, vector<128x128xf32>, vector<1000x128xf32> -> vector<1000x128xf32>
    %dot_general3A_95 = arith.constant dense<0.000000e+00> : vector<1000x128xf32>
    %dot_general3A_96 = tpu.matmul %div3A_72, %dot_general3A_21, %dot_general3A_95 {dimension_numbers = #tpu.dot_dimension_numbers<[1], [0], [0], [1], [0, 0, 1, 1], [], []>, precision = #tpu.contract_precision<fp32>, transpose_lhs_hint = false} : vector<1000x128xf32>, vector<128x128xf32>, vector<1000x128xf32> -> vector<1000x128xf32>
    %add3A_97 = arith.addf %dot_general3A_94, %dot_general3A_96 : vector<1000x128xf32>
    %dot_general3A_98 = arith.constant dense<0.000000e+00> : vector<1000x128xf32>
    %dot_general3A_99 = tpu.matmul %div3A_89, %dot_general3A_26, %dot_general3A_98 {dimension_numbers = #tpu.dot_dimension_numbers<[1], [0], [0], [1], [0, 0, 1, 1], [], []>, precision = #tpu.contract_precision<fp32>, transpose_lhs_hint = false} : vector<1000x128xf32>, vector<128x128xf32>, vector<1000x128xf32> -> vector<1000x128xf32>
    %add3A_100 = arith.addf %add3A_97, %dot_general3A_99 : vector<1000x128xf32>
    %add3A_101 = vector.broadcast %add3A_57 : vector<1x128xf32> to vector<1000x128xf32>
    %add3A_102 = arith.addf %add3A_100, %add3A_101 : vector<1000x128xf32>
    %mul3A = arith.constant 5.000000e-01 : f32
    %mul3A_103 = vector.broadcast %mul3A : f32 to vector<1000x128xf32>
    %mul3A_104 = arith.mulf %mul3A_103, %add3A_102 : vector<1000x128xf32>
    %swap3A = arith.constant 0 : index
    %swap3A_105 = arith.constant 0 : index
    %swap3A_106 = vector.load %arg15[%swap3A, %swap3A_105] : memref<1000x128xf32, #tpu.memory_space<vmem>>, vector<1000x128xf32>
    tpu.vector_store %arg15[%swap3A, %swap3A_105], %mul3A_104 {strides = array<i32>} : memref<1000x128xf32, #tpu.memory_space<vmem>>, vector<1000x128xf32>,
    return
  }
  func.func @transform_0(%arg0: i32) -> (i32, i32) {
    %c0_i32 = arith.constant 0 : i32
    %c0_i32_0 = arith.constant 0 : i32
    return %arg0, %c0_i32 : i32, i32
  }
  func.func @transform_1(%arg0: i32) -> (i32, i32, i32, i32) {
    %c0_i32 = arith.constant 0 : i32
    %c0_i32_0 = arith.constant 0 : i32
    %c0_i32_1 = arith.constant 0 : i32
    %c0_i32_2 = arith.constant 0 : i32
    return %c0_i32, %c0_i32_0, %arg0, %c0_i32_1 : i32, i32, i32, i32
  }
  func.func @transform_2(%arg0: i32) -> (i32, i32) {
    %c0_i32 = arith.constant 0 : i32
    %c0_i32_0 = arith.constant 0 : i32
    %c0_i32_1 = arith.constant 0 : i32
    return %c0_i32, %c0_i32_0 : i32, i32
  }
  func.func @transform_3(%arg0: i32) -> (i32, i32) {
    %c0_i32 = arith.constant 0 : i32
    %c0_i32_0 = arith.constant 0 : i32
    %c0_i32_1 = arith.constant 0 : i32
    return %c0_i32, %c0_i32_0 : i32, i32
  }
  func.func @transform_4(%arg0: i32) -> (i32, i32) {
    %c0_i32 = arith.constant 0 : i32
    %c0_i32_0 = arith.constant 0 : i32
    %c0_i32_1 = arith.constant 0 : i32
    return %c0_i32, %c0_i32_0 : i32, i32
  }
  func.func @transform_5(%arg0: i32) -> (i32, i32) {
    %c0_i32 = arith.constant 0 : i32
    %c0_i32_0 = arith.constant 0 : i32
    %c0_i32_1 = arith.constant 0 : i32
    return %c0_i32, %c0_i32_0 : i32, i32
  }
  func.func @transform_6(%arg0: i32) -> (i32, i32) {
    %c0_i32 = arith.constant 0 : i32
    %c0_i32_0 = arith.constant 0 : i32
    %c0_i32_1 = arith.constant 0 : i32
    return %c0_i32, %c0_i32_0 : i32, i32
  }
  func.func @transform_7(%arg0: i32) -> (i32, i32) {
    %c0_i32 = arith.constant 0 : i32
    %c0_i32_0 = arith.constant 0 : i32
    %c0_i32_1 = arith.constant 0 : i32
    return %c0_i32, %c0_i32_0 : i32, i32
  }
  func.func @transform_8(%arg0: i32) -> (i32, i32) {
    %c0_i32 = arith.constant 0 : i32
    %c0_i32_0 = arith.constant 0 : i32
    %c0_i32_1 = arith.constant 0 : i32
    return %c0_i32, %c0_i32_0 : i32, i32
  }
  func.func @transform_9(%arg0: i32) -> (i32, i32) {
    %c0_i32 = arith.constant 0 : i32
    %c0_i32_0 = arith.constant 0 : i32
    %c0_i32_1 = arith.constant 0 : i32
    return %c0_i32, %c0_i32_0 : i32, i32
  }
  func.func @transform_10(%arg0: i32) -> (i32, i32) {
    %c0_i32 = arith.constant 0 : i32
    %c0_i32_0 = arith.constant 0 : i32
    %c0_i32_1 = arith.constant 0 : i32
    return %c0_i32, %c0_i32_0 : i32, i32
  }
  func.func @transform_11(%arg0: i32) -> (i32, i32) {
    %c0_i32 = arith.constant 0 : i32
    %c0_i32_0 = arith.constant 0 : i32
    %c0_i32_1 = arith.constant 0 : i32
    return %c0_i32, %c0_i32_0 : i32, i32
  }
  func.func @transform_12(%arg0: i32) -> (i32, i32) {
    %c0_i32 = arith.constant 0 : i32
    %c0_i32_0 = arith.constant 0 : i32
    %c0_i32_1 = arith.constant 0 : i32
    return %c0_i32, %c0_i32_0 : i32, i32
  }
  func.func @transform_13(%arg0: i32) -> (i32, i32) {
    %c0_i32 = arith.constant 0 : i32
    %c0_i32_0 = arith.constant 0 : i32
    %c0_i32_1 = arith.constant 0 : i32
    return %c0_i32, %c0_i32_0 : i32, i32
  }
  func.func @transform_14(%arg0: i32) -> (i32, i32) {
    %c0_i32 = arith.constant 0 : i32
    %c0_i32_0 = arith.constant 0 : i32
    return %arg0, %c0_i32 : i32, i32
  }
}

</mosaic_0001>

<sc_bundles>
// kernel: kernel.4.cloned.1.call-start
scs
__scs_entry_jumppad:
0x0: {  	(pc) =	sbr.rel $0x88, $3  }
0x1: {  	(tag) =	ssettag $0x0;
	lr =	simm.s32 $0x1  }
0x2: {  	[smem:$0x3F91] =	sst lr;
	_ =	strace $0xD0000000  }
0x3: {  	_ = 	snop  }
0x4: {  	_ = 	snop  }
0x5: {  	_ = 	snop  }
0x6: {  	_ = 	snop  }
0x7: {  	_ = 	snop  }
__scs_overlays_trampoline_lowered:
0x8: {  	[smem:$0x3FA0] =	sst s0  }
0x9: {  	[smem:$0x3FA1] =	sst s1  }
0xa: {  	[smem:$0x3FA2] =	sst s2  }
0xb: {  	[smem:$0x3FA3] =	sst s3  }
0xc: {  	[smem:$0x3FA4] =	sst s4  }
0xd: {  	[smem:$0x3FA5] =	sst s5  }
0xe: {  	[smem:$0x3FA6] =	sst s6  }
0xf: {  	[smem:$0x3FA7] =	sst s7  }
0x10: {  	[smem:$0x3FA8] =	sst s8  }
0x11: {  	[smem:$0x3FA9] =	sst s9;
	s0 =	simm.s32 @!p0 $0x0  }
0x12: {  	s1 =	sld [smem:$0x3F8F];
	s0 =	simm.s32 @p0 $0x1  }
0x13: {  	[smem:$0x3FAA] =	sst s0;
	s0 =	simm.s32 @!p1 $0x0  }
0x14: {  	s2 =	sld [smem:$0x3F8E];
	s0 =	simm.s32 @p1 $0x1  }
0x15: {  	[smem:$0x3FAB] =	sst s0;
	s0 =	simm.s32 @!p2 $0x0  }
0x16: {  	s3 =	sld [smem:$0x3FDB];
	s0 =	simm.s32 @p2 $0x1  }
0x17: {  	s4 =	simm.s32 $0x1BF5;
	[smem:$0x3FAD] =	sst s0  }
0x18: {  	s0 =	sld [smem:$0x3F90];
	_ =	swait.ge [sflag:s4], $0x0  }
0x19: {  	s7 =	sld [smem:$0x3F91]  }
0x1a: {  	s8 =	sadd.s32 $0xFFFFE003, lr  }
0x1b: {  	s9 =	sadd.s32 $0xFFFFFEF7, lr;
	s5 =	simm.s32 $0xFFFFFFFF;
	p2 =	slt.u32 s8, $0xFFFFF086  }
0x1c: {  	p1 =	slt.u32 s9, $0xF7A;
	s5 =	simm.s32 @!p2 $0x0  }
0x1d: {  	s5 =	simm.s32 @p1 $0x1;
	p0 =	seq.s32 s7, s2  }
0x1e: {  	s7 =	smul.u32 @!p0 $0xF7A, s2;
	p2 =	seq.s32 @!p0 s5, $0x0  }
0x1f: {  	s9 =	smul.u32 $0xF7A, s1;
	s8 =	simm.s32 @!p0 $0x1BF5;
	p2 =	por !p2, p0  }
0x20: {  	[sflag:s8] =	ssyncset.s32 @!p0 $0xFFFFF086;
	s6 =	sadd.s32 @!p0 s3, s7;
	s7 =	simm.s32 @!p0 $0x108  }
0x21: {  	s3 =	sadd.s32 s3, s9;
	s6 =	sadd.s32 @!p0 $0x88, s6;
	s7 =	simm.s32 @p2 $0x1082  }
0x22: {  	[simem:s7], [sflag:s8] =	dma.local @!p0 [hbm:s6], $0xF7A  }
0x23: {  	s9 =	sor.u32 $0xD0000000, s2;
	s6 =	simm.s32 $0x108;
	_ =	swait.ge @!p0 [sflag:s8], $0x0  }
0x24: {  	s3 =	sadd.s32 $0x88, s3;
	s6 =	simm.s32 @!p1 $0x1082;
	[sflag:s4] =	ssyncset.s32 $0xFFFFF086  }
0x25: {  	[simem:s6], [sflag:s4] =	dma.local [hbm:s3], $0xF7A  }
0x26: {  	[smem:$0x3F91] =	sst s1;
	(tag) =	ssettag s2;
	_ =	strace s9  }
0x27: {  	s1 =	sld [smem:$0x3FA1]  }
0x28: {  	s2 =	sld [smem:$0x3FA2]  }
0x29: {  	s4 =	sld [smem:$0x3FA4]  }
0x2a: {  	p0 =	seq.s32 s5, $0x0;
	s5 =	sld [smem:$0x3FA5]  }
0x2b: {  	s6 =	sld [smem:$0x3FA6]  }
0x2c: {  	s7 =	sld [smem:$0x3FA7]  }
0x2d: {  	s3 =	simm.s32 $0x108;
	s8 =	sld [smem:$0x3FA8]  }
0x2e: {  	s3 =	simm.s32 @!p0 $0x1082;
	s9 =	sld [smem:$0x3FA9]  }
0x2f: {  	lr =	sadd.s32 s0, s3;
	s0 =	sld [smem:$0x3FA0]  }
0x30: {  	s3 =	sld [smem:$0x3FA3]  }
0x31: {  	[smem:$0x3FAC] =	sst s10  }
0x32: {  	s10 =	sld [smem:$0x3FAA];
	_ =	sdelay $0x3  }
0x33: {  	p0 =	seq.s32 s10, $0x1;
	s10 =	sld [smem:$0x3FAC];
	_ =	sdelay $0x3  }
0x34: {  	[smem:$0x3FAC] =	sst s10  }
0x35: {  	s10 =	sld [smem:$0x3FAB];
	_ =	sdelay $0x3  }
0x36: {  	p1 =	seq.s32 s10, $0x1;
	s10 =	sld [smem:$0x3FAC];
	_ =	sdelay $0x3  }
0x37: {  	[smem:$0x3FAC] =	sst s10  }
0x38: {  	s10 =	sld [smem:$0x3FAD]  }
0x39: {  	_ = 	snop;
	(pc) =	sbr.ind lr, $3  }
0x3a: {  	_ = 	snop  }
0x3b: {  	_ = 	snop  }
0x3c: {  	p2 =	seq.s32 s10, $0x1;
	s10 =	sld [smem:$0x3FAC]  }
0x3d: {  	_ =	shalt  }
0x3e: {  	_ =	shalt  }
0x3f: {  	_ =	shalt  }
0x40: {  	_ =	shalt  }
0x41: {  	_ =	shalt  }
0x42: {  	_ =	shalt  }
0x43: {  	_ =	shalt  }
0x44: {  	_ =	shalt  }
0x45: {  	_ =	shalt  }
0x46: {  	_ =	shalt  }
0x47: {  	_ =	shalt  }
0x48: {  	_ =	shalt  }
0x49: {  	_ =	shalt  }
0x4a: {  	_ =	shalt  }
0x4b: {  	_ =	shalt  }
0x4c: {  	_ =	shalt  }
0x4d: {  	_ =	shalt  }
0x4e: {  	_ =	shalt  }
0x4f: {  	_ =	shalt  }
0x50: {  	_ =	shalt  }
0x51: {  	_ =	shalt  }
0x52: {  	_ =	shalt  }
0x53: {  	_ =	shalt  }
0x54: {  	_ =	shalt  }
0x55: {  	_ =	shalt  }
0x56: {  	_ =	shalt  }
0x57: {  	_ =	shalt  }
0x58: {  	_ =	shalt  }
0x59: {  	_ =	shalt  }
0x5a: {  	_ =	shalt  }
0x5b: {  	_ =	shalt  }
0x5c: {  	_ =	shalt  }
0x5d: {  	_ =	shalt  }
0x5e: {  	_ =	shalt  }
0x5f: {  	_ =	shalt  }
0x60: {  	_ =	shalt  }
0x61: {  	_ =	shalt  }
0x62: {  	_ =	shalt  }
0x63: {  	_ =	shalt  }
0x64: {  	_ =	shalt  }
0x65: {  	_ =	shalt  }
0x66: {  	_ =	shalt  }
0x67: {  	_ =	shalt  }
0x68: {  	_ =	shalt  }
0x69: {  	_ =	shalt  }
0x6a: {  	_ =	shalt  }
0x6b: {  	_ =	shalt  }
0x6c: {  	_ =	shalt  }
0x6d: {  	_ =	shalt  }
0x6e: {  	_ =	shalt  }
0x6f: {  	_ =	shalt  }
0x70: {  	_ =	shalt  }
0x71: {  	_ =	shalt  }
0x72: {  	_ =	shalt  }
0x73: {  	_ =	shalt  }
0x74: {  	_ =	shalt  }
0x75: {  	_ =	shalt  }
0x76: {  	_ =	shalt  }
0x77: {  	_ =	shalt  }
0x78: {  	_ =	shalt  }
0x79: {  	_ =	shalt  }
0x7a: {  	_ =	shalt  }
0x7b: {  	_ =	shalt  }
0x7c: {  	_ =	shalt  }
0x7d: {  	_ =	shalt  }
0x7e: {  	_ =	shalt  }
0x7f: {  	_ =	shalt  }
0x80: {  	_ =	shalt  }
0x81: {  	_ =	shalt  }
0x82: {  	_ =	shalt  }
0x83: {  	_ =	shalt  }
0x84: {  	_ =	shalt  }
0x85: {  	_ =	shalt  }
0x86: {  	_ =	shalt  }
0x87: {  	_ =	shalt  }
.Lfunc_end0:
.L_simem_size_0:
called_computation_lowered:
.L_overlay_start_0:
0x88: {  	s2 =	sld [smem:$0x3FD9]  }
0x89: {  	s3 =	sld [smem:$0x3FFE];
	_ =	sdelay $0x1  }
0x8a: {  	s1 =	srdreg.scid  }
0x8b: {  	s0 =	sand.u32 $0x1, s1  }
0x8c: {  	s17 =	sshll.u32 s0, $0xA;
	s2 =	sadd.s32 s3, s2  }
0x8d: {  	s2 =	sadd.s32 s2, s17  }
0x8e: {  	[smem:$0x3FB8] =	sst s2  }
0x8f: {  	_ = 	snop  }
0x90: {  	s2 =	sld [smem:$0x3FD0];
	(tm) =	ssettm $0x1  }
0x91: {  	s18 =	sld [smem:$0x3FFB];
	_ =	sdelay $0x3  }
0x92: {  	_ =	strace s18  }
0x93: {  	s3 =	sld [smem:$0x3FFC];
	_ =	sdelay $0x3  }
0x94: {  	_ =	strace s3  }
0x95: {  	s3 =	sld [smem:$0x3FFD];
	_ =	sdelay $0x3  }
0x96: {  	_ =	strace s3  }
0x97: {  	_ =	strace $0x8FFFFFFF  }
0x98: {  	s19 =	sld [smem:$0x3FDB];
	_ =	sdelay $0x1  }
0x99: {  	s4 =	simm.s32 $_scs_section_size  }
0x9a: {  	s5 =	simm.s32 $_size__tile_overlayer_lowered;
	s6 =	simm.s32 $_tile_overlayer_lowered  }
0x9b: {  	s22 =	simm.s32 $0x1BFF;
	s21 =	sshll.u32 s6, $0x1;
	s3 =	sadd.s32 s4, s19  }
0x9c: {  	s7 =	simm.s32 $0x0;
	s20 =	sshll.u32 s5, $0x1;
	s5 =	sadd.s32 s21, s3  }
0x9d: {  	[timem:s7], [sflag:s22] =	dma.local [hbm:s5], s20  }
0x9e: {  	_ =	swait.ge [sflag:s22], s20  }
0x9f: {  	s4 =	ssub.s32 $0x0, s20;
	[sflag:s22] =	ssyncset.done $0x0  }
0xa0: {  	[sflag:s22] =	ssyncadd.s32 s4;
	_ =	sdelay $0x1  }
0xa1: {  	s23 =	simm.s32 $0x1B8B  }
0xa2: {  	_ =	swait.ge [sflag:s23], $0x1  }
0xa3: {  	[sflag:s23] =	ssyncset.done $0x0  }
0xa4: {  	s25 =	simm.s32 $0x1B8E;
	s24 =	sld [smem:$0x3FFE];
	[sflag:s23] =	ssyncadd.s32 $0xFFFFFFFF  }
0xa5: {  	s26 =	simm.s32 $execute0_lowered;
	[smem:$0x3FD2] =	sst s25  }
0xa6: {  	s5 =	sshll.u32 s26, $0x1;
	_ =	strace $0x80000046;
	[dreg:$0x1] =	wrdreg $0xFFFFFFFF  }
0xa7: {  	s28 =	simm.s32 $_size_execute0_lowered;
	s3 =	sadd.s32 s3, s5;
	[dreg:$0x0] =	wrdreg $0x0  }
0xa8: {  	s5 =	sshll.u32 s28, $0x1;
	[dreg:$0x2] =	wrdreg s3  }
0xa9: {  	[dreg:$0x3] =	wrdreg s5  }
0xaa: {  	[dreg:$0x4] =	wrdreg $0xC0  }
0xab: {  	_ =	task [dreg:s7], $0x5FFFF  }
0xac: {  	[dreg:$0x1] =	wrdreg $0xFFFFFFFF  }
0xad: {  	[dreg:$0x0] =	wrdreg $0x60  }
0xae: {  	[dreg:$0x2] =	wrdreg s24  }
0xaf: {  	[dreg:$0x3] =	wrdreg s2  }
0xb0: {  	[dreg:$0x4] =	wrdreg $0x185000  }
0xb1: {  	[dreg:$0x5] =	wrdreg $0x9  }
0xb2: {  	_ =	task.clear_ibuf [dreg:s7], $0x6FFFF;
	_ =	strace $0x90000046  }
0xb3: {  	s29 =	simm.s32 $0x9;
	_ =	strace $0x80000048  }
0xb4: {  	_ =	swait.ge [sflag:s29], $0x1  }
0xb5: {  	[sflag:s29] =	ssyncadd.s32 $0xFFFFFFFF  }
0xb6: {  	_ =	strace $0x90000048  }
0xb7: {  	_ =	sfence  }
0xb8: {  	s30 =	sld [smem:$0x0];
	_ =	sdelay $0x2  }
0xb9: {  	s31 =	sshll.u32 s1, $0xD;
	s1 =	sshrl.u32 s1, $0x2  }
0xba: {  	s3 =	sand.u32 $0x4000, s31;
	s1 =	sadd.s32 s1, s30  }
0xbb: {  	s0 =	sor.u32 s3, s0;
	s1 =	sshll.u32 s1, $0x11  }
0xbc: {  	s0 =	sor.u32 s1, s0  }
0xbd: {  	s0 =	sadd.s32 $0x8F2B, s0  }
0xbe: {  	[sflag:s0] =	ssyncadd.remote.s32 $0x1  }
0xbf: {  	_ =	sfence.sel $0xFFFF  }
0xc0: {  	[dreg:$0x0] =	wrdreg $0xFFFFFFFF;
	(pc) =	sbr.abs _section_cstart, $3  }
0xc1: {  	[dreg:$0x1] =	wrdreg $0xFFFFFFFF  }
0xc2: {  	_ =	task.clear_ibuf [dreg:s7], $0x2FFFF;
	_ =	strace $0x9FFFFFFF  }
0xc3: {  	(tm) =	ssettm $0x7FFFFFFF  }
tec
execute0_lowered:
.L_overlay_start_1:
0x0: {  	(tag) =	ssettag $0x1  }
0x1: {  	s0 =	rddreg [dreg:$0x0]  }
0x2: {  	s6 =	rddreg [dreg:$0x1]  }
0x3: {  	s1 =	rddreg [dreg:$0x2];
	s2 =	srdreg.scid  }
0x4: {  	s3 =	stileid.u32;
	s15 =	simm.s32 $0x5;
	s17 =	simm.s32 $0x12000  }
0x5: {  	s18 =	simm.s32 $0x80;
	s19 =	simm.s32 $0xA000;
	s20 =	simm.s32 $0xE000  }
0x6: {  	s21 =	simm.s32 $0x1;
	s22 =	simm.s32 $0x18400;
	s23 =	simm.s32 $0x3  }
0x7: {  	s24 =	simm.s32 $0x2;
	s25 =	simm.s32 $0x18480;
	s28 =	simm.s32 $0x14400  }
0x8: {  	s11 =	sand.u32 $0x1, s2;
	s2 =	simm.s32 $0x0;
	s7 =	smul.u32 $0x5000, s3  }
0x9: {  	s4 =	sadd.s32 $0x16000, s0;
	s10 =	smul.u32 $0x1B000, s3;
	p0 =	sne.s32 s3, $0x0  }
0xa: {  	s5 =	smul.u32 $0x50000, s11;
	[smem:$0x7FF] =	sst s2;
	s26 =	ssub.s32 $0x2, s11  }
0xb: {  	s11 =	smul.u32 $0x288000, s11;
	_ =	strace $0x80000047;
	s9 =	sshrl.u32 s26, $0x1  }
0xc: {  	s31 =	sshrl.u32 s10, $0x2;
	s5 =	sadd.s32 s7, s5;
	s29 =	ssub.s32 s26, s9  }
.Ltmp0:
0xd: {  	s9 =	sadd.s32 $0x6C000, s1;
	s10 =	sadd.s32 s31, s1;
	(pc) =	sbr.rel .LBB2_1-.Ltmp0, $4  }
0xe: {  	s26 =	simm.s32 $0x4;
	s8 =	sshrl.u32 s5, $0x3;
	s5 =	sadd.s32 $0x64200, s0  }
0xf: {  	s13 =	sadd.s32 $0x2400, s10;
	s12 =	sadd.s32 s8, s0;
	s6 =	sadd.s32 s6, s8  }
0x10: {  	s14 =	sadd.s32 $0x4800, s10;
	[dreg:$0x4] =	wrdreg s6;
	s30 =	sadd.s32 $0x2000, s12  }
0x11: {  	v0 =	vimm.f32 $1.000000000e+00;
	v1 =	vimm.f32 $0.0e+00;
	s8 =	smul.u32 $0xD8, s3;
	s12 =	smax.u32 s29, $0x1;
	[dreg:$0x5] =	wrdreg s30  }
.LBB2_14:
0x12: {  	s2 =	sadd.s32 $0x1, s2  }
0x13: {  	p1 =	sne.s32 s2, s12  }
.Ltmp1:
0x14: {  	_ = 	snop;
	(pc) =	sbr.rel @!p1 .LBB2_15-.Ltmp1, $1  }
0x15: {  	_ =	sdelay $0x3  }
.LBB2_1:
0x16: {  	s0 =	simm.s32 $0x0;
	s16 =	simm.s32 $0x200  }
.LBB2_2:
0x17: {  	p1 =	sne.s32 s16, $0xFE00;
	[tilespmem:s0+$0x14470] =	vst v0  }
0x18: {  	[tilespmem:s0+$0x14400] =	vst v0  }
0x19: {  	[tilespmem:s0+$0x14410] =	vst v0  }
.Ltmp2:
0x1a: {  	[tilespmem:s0+$0x14420] =	vst v0;
	(pc) =	sbr.rel @p1 .LBB2_2-.Ltmp2, $4  }
0x1b: {  	[tilespmem:s0+$0x14430] =	vst v0  }
0x1c: {  	[tilespmem:s0+$0x14440] =	vst v0  }
0x1d: {  	[tilespmem:s0+$0x14450] =	vst v0  }
0x1e: {  	[tilespmem:s0+$0x14460] =	vst v0;
	s0 =	sshra.s32 s16, $0x2;
	s16 =	sadd.s32 $0x200, s16  }
0x1f: {  	[tilespmem:s0+$0x14470] =	vst v0  }
0x20: {  	[tilespmem:s0+$0x14400] =	vst v0  }
0x21: {  	[tilespmem:s0+$0x14410] =	vst v0  }
0x22: {  	[tilespmem:s0+$0x14420] =	vst v0  }
0x23: {  	[tilespmem:s0+$0x14430] =	vst v0  }
0x24: {  	[tilespmem:s0+$0x14440] =	vst v0  }
0x25: {  	[tilespmem:s0+$0x14450] =	vst v0  }
0x26: {  	[tilespmem:s0+$0x14460] =	vst v0;
	s0 =	simm.s32 $0x70;
	s16 =	simm.s32 $0x3C0  }
.LBB2_4:
0x27: {  	p1 =	sne.s32 s16, $0x8FC0;
	[tilespmem:s0+$0x12000] =	vst v1  }
0x28: {  	[tilespmem:s0+$0x11F90] =	vst v1  }
0x29: {  	[tilespmem:s0+$0x11FA0] =	vst v1  }
.Ltmp3:
0x2a: {  	[tilespmem:s0+$0x11FB0] =	vst v1;
	(pc) =	sbr.rel @p1 .LBB2_4-.Ltmp3, $4  }
0x2b: {  	[tilespmem:s0+$0x11FC0] =	vst v1  }
0x2c: {  	[tilespmem:s0+$0x11FD0] =	vst v1  }
0x2d: {  	[tilespmem:s0+$0x11FE0] =	vst v1  }
0x2e: {  	[tilespmem:s0+$0x11FF0] =	vst v1;
	s0 =	sshra.s32 s16, $0x2;
	s16 =	sadd.s32 $0x200, s16  }
0x2f: {  	[tilespmem:s0+$0x12000] =	vst v1  }
0x30: {  	[tilespmem:s0+$0x11F90] =	vst v1  }
0x31: {  	[tilespmem:s0+$0x11FA0] =	vst v1  }
0x32: {  	[tilespmem:s0+$0x11FB0] =	vst v1  }
0x33: {  	[tilespmem:s0+$0x11FC0] =	vst v1  }
0x34: {  	[tilespmem:s0+$0x11FD0] =	vst v1  }
0x35: {  	[tilespmem:s0+$0x11FE0] =	vst v1  }
0x36: {  	[tilespmem:s0+$0x11FF0] =	vst v1;
	s29 =	simm.s32 $0x0;
	s30 =	rddreg [dreg:$0x4]  }
0x37: {  	[tilespmem:s29], [sflag:$0x5] =	stream.linear.gather [hbm4b:s30+s29], $0x5000, $0x38;
	[tilespmem:$0x1F140] =	vst v63  }
0x38: {  	_ =	swait.ge [sflag:s15], $0x5000  }
0x39: {  	s6 =	simm.s32 $0x5000;
	[sflag:s15] =	ssyncset.done $0x0  }
.Ltmp4:
0x3a: {  	s31 =	rddreg [dreg:$0x5];
	[sflag:s15] =	ssyncadd.s32 $0xFFFFB000;
	(pc) =	sbr.rel .LBB2_6-.Ltmp4, $4  }
0x3b: {  	[tilespmem:s6], [sflag:$0x5] =	stream.linear.gather [hbm4b:s31+s29], $0x5000, $0x38;
	[tilespmem:$0x1F140] =	vst v63  }
0x3c: {  	_ =	swait.ge [sflag:s15], $0x5000  }
0x3d: {  	[sflag:s15] =	ssyncset.done $0x0  }
0x3e: {  	[sflag:s15] =	ssyncadd.s32 $0xFFFFB000  }
.LBB2_13:
0x3f: {  	_ = 	snop  }
0x40: {  	s6 =	sadd.s32 s8, s30  }
0x41: {  	s6 =	sshll.u32 s6, $0x7  }
0x42: {  	[bflag:$0x0] =	sbarrier.arrive $0xFFFF;
	s6 =	sadd.s32 s11, s6  }
0x43: {  	s31 =	sshll.u32 s3, $0x6;
	s29 =	sadd.s32 $0x1, s29;
	s0 =	sadd.s32 s0, s6  }
0x44: {  	s7 =	sshrl.u32 s10, $0x3;
	p1 =	sne.s32 s29, $0x6;
	s0 =	sshrl.u32 s0, $0x3  }
.Ltmp5:
0x45: {  	s6 =	sor.u32 $0x1C05, s31;
	s0 =	sadd.s32 s5, s0;
	(pc) =	sbr.rel @!p1 .LBB2_14-.Ltmp5, $4  }
0x46: {  	[hbm:s0], [sflag:s6] =	dma.local [spmem:s7], $0xD80  }
0x47: {  	_ =	swait.ge [sflag:s15], $0xD80  }
0x48: {  	[sflag:s15] =	ssyncset.done $0x0  }
0x49: {  	[sflag:s15] =	ssyncadd.s32 $0xFFFFF280  }
.LBB2_6:
0x4a: {  	[spmem:s10] =	stream.linear.scatter [tilespmem:s17], [sflag:$0x5], $0x2400, $0x38;
	[tilespmem:$0x1F140] =	vst v63  }
0x4b: {  	_ =	swait.ge [sflag:s15], $0x2400  }
0x4c: {  	[sflag:s15] =	ssyncset.done $0x0  }
0x4d: {  	[sflag:s15] =	ssyncadd.s32 $0xFFFFDC00  }
0x4e: {  	[spmem:s13] =	stream.linear.scatter [tilespmem:s17], [sflag:$0x5], $0x2400, $0x38;
	[tilespmem:$0x1F140] =	vst v63  }
0x4f: {  	_ =	swait.ge [sflag:s15], $0x2400  }
0x50: {  	[sflag:s15] =	ssyncset.done $0x0  }
0x51: {  	[sflag:s15] =	ssyncadd.s32 $0xFFFFDC00  }
0x52: {  	[spmem:s14] =	stream.linear.scatter [tilespmem:s17], [sflag:$0x5], $0x2400, $0x38;
	[tilespmem:$0x1F140] =	vst v63  }
0x53: {  	_ =	swait.ge [sflag:s15], $0x2400  }
0x54: {  	p1 =	sgt.u32 s29, $0x2;
	[sflag:s15] =	ssyncset.done $0x0  }
0x55: {  	s0 =	simm.s32 $0xFFFFFFFD;
	s6 =	simm.s32 @!p0 $0x12000;
	[sflag:s15] =	ssyncadd.s32 $0xFFFFDC00  }
0x56: {  	[spmem:s9] =	stream.linear.scatter @!p0 [tilespmem:s6], [sflag:$0x5], $0x400, $0x38;
	[tilespmem:$0x1F140] =	vst v63  }
0x57: {  	s0 =	simm.s32 @!p1 $0x0;
	s6 =	simm.s32 @!p0 $0x5  }
.Ltmp6:
0x58: {  	s0 =	sadd.s32 s29, s0;
	_ =	swait.ge @!p0 [sflag:s6], $0x400;
	(pc) =	sbr.rel @p1 .LBB2_10-.Ltmp6, $4  }
0x59: {  	s30 =	smul.u32 $0xD80, s0;
	[sflag:s6] =	ssyncset.done @!p0 $0x0  }
0x5a: {  	[sflag:s6] =	ssyncadd.s32 @!p0 $0xFFFFFC00  }
0x5b: {  	s0 =	sadd.s32 $0xD80, s30;
	[bflag:$0x0] =	sbarrier.arrive $0xFFFF  }
0x5c: {  	v2 =	vmov s30;
	v3 =	vmov s0  }
0x5d: {  	v4 =	vld [tilespmem:$0x5000]  }
0x5e: {  	v5 =	vld [tilespmem:$0x5010]  }
0x5f: {  	v6 =	vld [tilespmem:$0x5020]  }
0x60: {  	v7 =	vld [tilespmem:$0x5030]  }
0x61: {  	v8 =	vld [tilespmem:$0x5040]  }
0x62: {  	v9 =	vld [tilespmem:$0x5050]  }
0x63: {  	vm0 =	vge.s32 v4, s30;
	vm1 =	vlt.s32 v4, s0;
	v4 =	vsub.s32 v4, v2  }
0x64: {  	v10 =	vld [tilespmem:$0x5060];
	vm6 =	vge.s32 v5, s30;
	vm2 =	vlt.s32 v5, s0;
	v5 =	vsub.s32 v5, v2  }
0x65: {  	v11 =	vld [tilespmem:$0x5070];
	vm8 =	vge.s32 v6, s30;
	vm9 =	vlt.s32 v6, s0;
	vm10 =	vge.s32 v7, s30  }
0x66: {  	vm11 =	vlt.s32 v7, s0;
	v6 =	vsub.s32 v6, v2;
	v7 =	vsub.s32 v7, v2  }
0x67: {  	vm12 =	vge.s32 v8, s30;
	vm13 =	vlt.s32 v8, s0;
	vm14 =	vge.s32 v9, s30  }
0x68: {  	vm3 =	vlt.s32 v9, s0;
	vm0 =	vmand vm0, vm1;
	vm7 =	vmand vm6, vm2  }
0x69: {  	vm1 =	vmand vm10, vm11;
	vm15 =	vmand vm14, vm3;
	v4 =	vnsel vm0, $0xD80, v4  }
0x6a: {  	vm6 =	vge.s32 v10, s30;
	vm10 =	vlt.s32 v11, s0;
	v5 =	vnsel vm7, $0xD80, v5;
	[tilespmem:$0x18400] =	vst v4  }
0x6b: {  	vm0 =	vmand vm8, vm9;
	v7 =	vnsel vm1, $0xD80, v7;
	vm7 =	vlt.s32 v10, s0;
	[tilespmem:$0x18410] =	vst v5  }
0x6c: {  	v6 =	vnsel vm0, $0xD80, v6;
	vm0 =	vmand vm12, vm13;
	v4 =	vsub.s32 v8, v2;
	[tilespmem:$0x18430] =	vst v7  }
0x6d: {  	vm9 =	vge.s32 v11, s30;
	v5 =	vsub.s32 v9, v2;
	[tilespmem:$0x18420] =	vst v6;
	v4 =	vnsel vm0, $0xD80, v4  }
0x6e: {  	vm8 =	vmand vm6, vm7;
	v5 =	vnsel vm15, $0xD80, v5;
	[tilespmem:$0x18440] =	vst v4;
	v4 =	vsub.s32 v10, v2  }
0x6f: {  	vm11 =	vmand vm9, vm10;
	[tilespmem:$0x18450] =	vst v5;
	v5 =	vsub.s32 v11, v2;
	v4 =	vnsel vm8, $0xD80, v4  }
0x70: {  	[tilespmem:$0x18460] =	vst v4;
	v4 =	vnsel vm11, $0xD80, v5  }
0x71: {  	s6 =	simm.s32 $0x0;
	[tilespmem:$0x18470] =	vst v4  }
0x72: {  	[tilespmem:s19], [sflag:$0x1] =	stream.indirect.gather [hbm4b:s4+s18], $0x80, s6, s18, $0xb8;
	[tilespmem:$0x1F140] =	vst v63  }
0x73: {  	v4 =	vld [tilespmem:$0x5080]  }
0x74: {  	v5 =	vld [tilespmem:$0x5090]  }
0x75: {  	v58 =	vld [tilespmem:$0x50A0]  }
0x76: {  	v59 =	vld [tilespmem:$0x50B0]  }
0x77: {  	v60 =	vld [tilespmem:$0x50C0]  }
0x78: {  	v61 =	vld [tilespmem:$0x50D0]  }
0x79: {  	vm12 =	vge.s32 v4, s30;
	vm13 =	vlt.s32 v4, s0;
	v4 =	vsub.s32 v4, v2  }
0x7a: {  	v62 =	vld [tilespmem:$0x50E0];
	vm14 =	vge.s32 v5, s30;
	vm15 =	vlt.s32 v5, s0;
	v5 =	vsub.s32 v5, v2  }
0x7b: {  	vm5 =	vge.s32 v58, s30;
	vm6 =	vlt.s32 v58, s0;
	vm7 =	vge.s32 v59, s30  }
0x7c: {  	vm8 =	vlt.s32 v59, s0;
	v6 =	vsub.s32 v58, v2;
	v7 =	vsub.s32 v59, v2  }
0x7d: {  	vm9 =	vge.s32 v60, s30;
	vm10 =	vlt.s32 v60, s0;
	vm11 =	vge.s32 v61, s30  }
0x7e: {  	v63 =	vld [tilespmem:$0x50F0];
	vm0 =	vmand vm12, vm13;
	vm4 =	vmand vm14, vm15;
	vm1 =	vmand vm7, vm8  }
0x7f: {  	vm12 =	vlt.s32 v61, s0;
	vm14 =	vge.s32 v62, s30;
	v4 =	vnsel vm0, $0xD80, v4  }
0x80: {  	vm15 =	vlt.s32 v62, s0;
	v5 =	vnsel vm4, $0xD80, v5;
	vm0 =	vmand vm5, vm6;
	[tilespmem:$0x18480] =	vst v4  }
0x81: {  	v7 =	vnsel vm1, $0xD80, v7;
	vm13 =	vmand vm11, vm12;
	vm4 =	vmand vm14, vm15;
	[tilespmem:$0x18490] =	vst v5  }
0x82: {  	v6 =	vnsel vm0, $0xD80, v6;
	vm0 =	vmand vm9, vm10;
	v4 =	vsub.s32 v60, v2;
	[tilespmem:$0x184B0] =	vst v7  }
0x83: {  	vm5 =	vge.s32 v63, s30;
	v5 =	vsub.s32 v61, v2;
	[tilespmem:$0x184A0] =	vst v6;
	v4 =	vnsel vm0, $0xD80, v4  }
0x84: {  	vm6 =	vlt.s32 v63, s0;
	v5 =	vnsel vm13, $0xD80, v5;
	[tilespmem:$0x184C0] =	vst v4;
	v4 =	vsub.s32 v62, v2  }
0x85: {  	vm7 =	vmand vm5, vm6;
	[tilespmem:$0x184D0] =	vst v5;
	v5 =	vsub.s32 v63, v2;
	v4 =	vnsel vm4, $0xD80, v4  }
0x86: {  	[tilespmem:$0x184E0] =	vst v4;
	v4 =	vnsel vm7, $0xD80, v5  }
0x87: {  	[tilespmem:$0x184F0] =	vst v4  }
0x88: {  	[tilespmem:s20], [sflag:$0x2] =	stream.indirect.gather [hbm4b:s4+s18], $0x80, s18, s18, $0xb8;
	[tilespmem:$0x1F140] =	vst v63  }
0x89: {  	_ =	swait.ge [sflag:s21], $0x4000  }
0x8a: {  	[sflag:s21] =	ssyncset.done $0x0  }
0x8b: {  	[sflag:s21] =	ssyncadd.s32 $0xFFFFC000  }
0x8c: {  	[spmem:s1] =	stream.indirect.scatter.add.f32 [tilespmem:s19], [sflag:$0x3], $0x80, s22, s18, $0xb8;
	[tilespmem:$0x1F140] =	vst v63  }
0x8d: {  	_ =	swait.ge [sflag:s23], $0x4000  }
0x8e: {  	[sflag:s23] =	ssyncset.done $0x0  }
0x8f: {  	s16 =	simm.s32 $0x0;
	[sflag:s23] =	ssyncadd.s32 $0xFFFFC000  }
0x90: {  	v4 =	vld [tilespmem:s16+$0x5100];
	_ =	sdelay $0x4  }
0x91: {  	vm8 =	vge.s32 v4, v2;
	vm9 =	vlt.s32 v4, v3  }
0x92: {  	v4 =	vsub.s32 v4, v2;
	vm0 =	vmand vm8, vm9  }
0x93: {  	v4 =	vnsel vm0, $0xD80, v4  }
0x94: {  	[tilespmem:$0x18400] =	vst v4  }
0x95: {  	v4 =	vld [tilespmem:s16+$0x5110];
	_ =	sdelay $0x4  }
0x96: {  	vm10 =	vge.s32 v4, v2;
	vm11 =	vlt.s32 v4, v3  }
0x97: {  	v4 =	vsub.s32 v4, v2;
	vm0 =	vmand vm10, vm11  }
0x98: {  	v4 =	vnsel vm0, $0xD80, v4  }
0x99: {  	[tilespmem:$0x18410] =	vst v4  }
0x9a: {  	v4 =	vld [tilespmem:s16+$0x5120];
	_ =	sdelay $0x4  }
0x9b: {  	vm12 =	vge.s32 v4, v2;
	vm13 =	vlt.s32 v4, v3  }
0x9c: {  	v4 =	vsub.s32 v4, v2;
	vm0 =	vmand vm12, vm13  }
0x9d: {  	v4 =	vnsel vm0, $0xD80, v4  }
0x9e: {  	[tilespmem:$0x18420] =	vst v4  }
0x9f: {  	v4 =	vld [tilespmem:s16+$0x5130];
	_ =	sdelay $0x4  }
0xa0: {  	vm14 =	vge.s32 v4, v2;
	vm15 =	vlt.s32 v4, v3  }
0xa1: {  	v4 =	vsub.s32 v4, v2;
	vm0 =	vmand vm14, vm15  }
0xa2: {  	v4 =	vnsel vm0, $0xD80, v4  }
0xa3: {  	[tilespmem:$0x18430] =	vst v4  }
0xa4: {  	v4 =	vld [tilespmem:s16+$0x5140];
	_ =	sdelay $0x4  }
0xa5: {  	vm4 =	vge.s32 v4, v2;
	vm5 =	vlt.s32 v4, v3  }
0xa6: {  	v4 =	vsub.s32 v4, v2;
	vm0 =	vmand vm4, vm5  }
0xa7: {  	v4 =	vnsel vm0, $0xD80, v4  }
0xa8: {  	[tilespmem:$0x18440] =	vst v4  }
0xa9: {  	v4 =	vld [tilespmem:s16+$0x5150];
	_ =	sdelay $0x4  }
0xaa: {  	vm6 =	vge.s32 v4, v2;
	vm7 =	vlt.s32 v4, v3  }
0xab: {  	v4 =	vsub.s32 v4, v2;
	vm0 =	vmand vm6, vm7  }
0xac: {  	v4 =	vnsel vm0, $0xD80, v4  }
0xad: {  	[tilespmem:$0x18450] =	vst v4  }
0xae: {  	v4 =	vld [tilespmem:s16+$0x5160];
	_ =	sdelay $0x4  }
0xaf: {  	vm8 =	vge.s32 v4, v2;
	vm9 =	vlt.s32 v4, v3  }
0xb0: {  	v4 =	vsub.s32 v4, v2;
	vm0 =	vmand vm8, vm9  }
0xb1: {  	v4 =	vnsel vm0, $0xD80, v4  }
0xb2: {  	[tilespmem:$0x18460] =	vst v4  }
0xb3: {  	v4 =	vld [tilespmem:s16+$0x5170];
	_ =	sdelay $0x4  }
0xb4: {  	vm10 =	vge.s32 v4, v2;
	vm11 =	vlt.s32 v4, v3  }
0xb5: {  	v4 =	vsub.s32 v4, v2;
	vm0 =	vmand vm10, vm11  }
0xb6: {  	v4 =	vnsel vm0, $0xD80, v4  }
0xb7: {  	s7 =	simm.s32 $0x100;
	[tilespmem:$0x18470] =	vst v4  }
0xb8: {  	[tilespmem:s19], [sflag:$0x1] =	stream.indirect.gather [hbm4b:s4+s18], $0x80, s7, s18, $0xb8;
	[tilespmem:$0x1F140] =	vst v63  }
0xb9: {  	_ =	swait.ge [sflag:s24], $0x4000  }
0xba: {  	[sflag:s24] =	ssyncset.done $0x0  }
0xbb: {  	[sflag:s24] =	ssyncadd.s32 $0xFFFFC000  }
0xbc: {  	[spmem:s1] =	stream.indirect.scatter.add.f32 [tilespmem:s20], [sflag:$0x4], $0x80, s25, s18, $0xb8;
	[tilespmem:$0x1F140] =	vst v63  }
0xbd: {  	_ =	swait.ge [sflag:s26], $0x4000  }
0xbe: {  	[sflag:s26] =	ssyncset.done $0x0  }
0xbf: {  	[sflag:s26] =	ssyncadd.s32 $0xFFFFC000  }
0xc0: {  	v4 =	vld [tilespmem:s16+$0x5180];
	_ =	sdelay $0x4  }
0xc1: {  	vm12 =	vge.s32 v4, v2;
	vm13 =	vlt.s32 v4, v3  }
0xc2: {  	v4 =	vsub.s32 v4, v2;
	vm0 =	vmand vm12, vm13  }
0xc3: {  	v4 =	vnsel vm0, $0xD80, v4  }
0xc4: {  	[tilespmem:$0x18480] =	vst v4  }
0xc5: {  	v4 =	vld [tilespmem:s16+$0x5190];
	_ =	sdelay $0x4  }
0xc6: {  	vm14 =	vge.s32 v4, v2;
	vm15 =	vlt.s32 v4, v3  }
0xc7: {  	v4 =	vsub.s32 v4, v2;
	vm0 =	vmand vm14, vm15  }
0xc8: {  	v4 =	vnsel vm0, $0xD80, v4  }
0xc9: {  	[tilespmem:$0x18490] =	vst v4  }
0xca: {  	v4 =	vld [tilespmem:s16+$0x51A0];
	_ =	sdelay $0x4  }
0xcb: {  	vm4 =	vge.s32 v4, v2;
	vm5 =	vlt.s32 v4, v3  }
0xcc: {  	v4 =	vsub.s32 v4, v2;
	vm0 =	vmand vm4, vm5  }
0xcd: {  	v4 =	vnsel vm0, $0xD80, v4  }
0xce: {  	[tilespmem:$0x184A0] =	vst v4  }
0xcf: {  	v4 =	vld [tilespmem:s16+$0x51B0];
	_ =	sdelay $0x4  }
0xd0: {  	vm6 =	vge.s32 v4, v2;
	vm7 =	vlt.s32 v4, v3  }
0xd1: {  	v4 =	vsub.s32 v4, v2;
	vm0 =	vmand vm6, vm7  }
0xd2: {  	v4 =	vnsel vm0, $0xD80, v4  }
0xd3: {  	[tilespmem:$0x184B0] =	vst v4  }
0xd4: {  	v4 =	vld [tilespmem:s16+$0x51C0];
	_ =	sdelay $0x4  }
0xd5: {  	vm8 =	vge.s32 v4, v2;
	vm9 =	vlt.s32 v4, v3  }
0xd6: {  	v4 =	vsub.s32 v4, v2;
	vm0 =	vmand vm8, vm9  }
0xd7: {  	v4 =	vnsel vm0, $0xD80, v4  }
0xd8: {  	[tilespmem:$0x184C0] =	vst v4  }
0xd9: {  	v4 =	vld [tilespmem:s16+$0x51D0];
	_ =	sdelay $0x4  }
0xda: {  	vm10 =	vge.s32 v4, v2;
	vm11 =	vlt.s32 v4, v3  }
0xdb: {  	v4 =	vsub.s32 v4, v2;
	vm0 =	vmand vm10, vm11  }
0xdc: {  	v4 =	vnsel vm0, $0xD80, v4  }
0xdd: {  	[tilespmem:$0x184D0] =	vst v4  }
0xde: {  	v4 =	vld [tilespmem:s16+$0x51E0];
	_ =	sdelay $0x4  }
0xdf: {  	vm12 =	vge.s32 v4, v2;
	vm13 =	vlt.s32 v4, v3  }
0xe0: {  	v4 =	vsub.s32 v4, v2;
	vm0 =	vmand vm12, vm13  }
0xe1: {  	v4 =	vnsel vm0, $0xD80, v4  }
0xe2: {  	[tilespmem:$0x184E0] =	vst v4  }
0xe3: {  	v4 =	vld [tilespmem:s16+$0x51F0];
	_ =	sdelay $0x4  }
0xe4: {  	vm14 =	vge.s32 v4, v2;
	vm15 =	vlt.s32 v4, v3  }
0xe5: {  	v4 =	vsub.s32 v4, v2;
	vm0 =	vmand vm14, vm15  }
0xe6: {  	v4 =	vnsel vm0, $0xD80, v4  }
0xe7: {  	s16 =	simm.s32 $0x180;
	[tilespmem:$0x184F0] =	vst v4  }
0xe8: {  	[tilespmem:s20], [sflag:$0x2] =	stream.indirect.gather [hbm4b:s4+s18], $0x80, s16, s18, $0xb8;
	[tilespmem:$0x1F140] =	vst v63  }
0xe9: {  	_ =	swait.ge [sflag:s21], $0x4000  }
0xea: {  	[sflag:s21] =	ssyncset.done $0x0  }
0xeb: {  	[sflag:s21] =	ssyncadd.s32 $0xFFFFC000  }
0xec: {  	[spmem:s1] =	stream.indirect.scatter.add.f32 [tilespmem:s19], [sflag:$0x3], $0x80, s22, s18, $0xb8;
	[tilespmem:$0x1F140] =	vst v63  }
0xed: {  	_ =	swait.ge [sflag:s23], $0x4000  }
0xee: {  	s31 =	simm.s32 $0x400;
	s0 =	simm.s32 $0x800;
	[sflag:s23] =	ssyncset.done $0x0  }
.LBB2_8:
0xef: {  	s16 =	sshra.s32 s31, $0x2  }
0xf0: {  	[sflag:s23] =	ssyncadd.s32 $0xFFFFC000;
	s31 =	smov.u32 s0;
	s6 =	sadd.s32 $0x400, s0  }
0xf1: {  	p1 =	sne.s32 s0, $0x13800;
	v4 =	vld [tilespmem:s16+$0x5100];
	_ =	sdelay $0x4  }
0xf2: {  	vm0 =	vge.s32 v4, v2;
	vm1 =	vlt.s32 v4, v3  }
0xf3: {  	v4 =	vsub.s32 v4, v2;
	vm0 =	vmand vm0, vm1  }
0xf4: {  	v4 =	vnsel vm0, $0xD80, v4  }
0xf5: {  	[tilespmem:$0x18400] =	vst v4  }
0xf6: {  	v4 =	vld [tilespmem:s16+$0x5110];
	_ =	sdelay $0x4  }
0xf7: {  	vm0 =	vge.s32 v4, v2;
	vm1 =	vlt.s32 v4, v3  }
0xf8: {  	v4 =	vsub.s32 v4, v2;
	vm0 =	vmand vm0, vm1  }
0xf9: {  	v4 =	vnsel vm0, $0xD80, v4  }
0xfa: {  	[tilespmem:$0x18410] =	vst v4  }
0xfb: {  	v4 =	vld [tilespmem:s16+$0x5120];
	_ =	sdelay $0x4  }
0xfc: {  	vm0 =	vge.s32 v4, v2;
	vm1 =	vlt.s32 v4, v3  }
0xfd: {  	v4 =	vsub.s32 v4, v2;
	vm0 =	vmand vm0, vm1  }
0xfe: {  	v4 =	vnsel vm0, $0xD80, v4  }
0xff: {  	[tilespmem:$0x18420] =	vst v4  }
0x100: {  	v4 =	vld [tilespmem:s16+$0x5130];
	_ =	sdelay $0x4  }
0x101: {  	vm0 =	vge.s32 v4, v2;
	vm1 =	vlt.s32 v4, v3  }
0x102: {  	v4 =	vsub.s32 v4, v2;
	vm0 =	vmand vm0, vm1  }
0x103: {  	v4 =	vnsel vm0, $0xD80, v4  }
0x104: {  	[tilespmem:$0x18430] =	vst v4  }
0x105: {  	v4 =	vld [tilespmem:s16+$0x5140];
	_ =	sdelay $0x4  }
0x106: {  	vm0 =	vge.s32 v4, v2;
	vm1 =	vlt.s32 v4, v3  }
0x107: {  	v4 =	vsub.s32 v4, v2;
	vm0 =	vmand vm0, vm1  }
0x108: {  	v4 =	vnsel vm0, $0xD80, v4  }
0x109: {  	[tilespmem:$0x18440] =	vst v4  }
0x10a: {  	v4 =	vld [tilespmem:s16+$0x5150];
	_ =	sdelay $0x4  }
0x10b: {  	vm0 =	vge.s32 v4, v2;
	vm1 =	vlt.s32 v4, v3  }
0x10c: {  	v4 =	vsub.s32 v4, v2;
	vm0 =	vmand vm0, vm1  }
0x10d: {  	v4 =	vnsel vm0, $0xD80, v4  }
0x10e: {  	[tilespmem:$0x18450] =	vst v4  }
0x10f: {  	v4 =	vld [tilespmem:s16+$0x5160];
	_ =	sdelay $0x4  }
0x110: {  	vm0 =	vge.s32 v4, v2;
	vm1 =	vlt.s32 v4, v3  }
0x111: {  	v4 =	vsub.s32 v4, v2;
	vm0 =	vmand vm0, vm1  }
0x112: {  	v4 =	vnsel vm0, $0xD80, v4  }
0x113: {  	[tilespmem:$0x18460] =	vst v4  }
0x114: {  	v4 =	vld [tilespmem:s16+$0x5170];
	_ =	sdelay $0x4  }
0x115: {  	vm0 =	vge.s32 v4, v2;
	vm1 =	vlt.s32 v4, v3  }
0x116: {  	v4 =	vsub.s32 v4, v2;
	vm0 =	vmand vm0, vm1  }
0x117: {  	v4 =	vnsel vm0, $0xD80, v4  }
0x118: {  	s0 =	sadd.s32 $0x100, s16;
	[tilespmem:$0x18470] =	vst v4  }
0x119: {  	[tilespmem:s19], [sflag:$0x1] =	stream.indirect.gather [hbm4b:s4+s18], $0x80, s0, s18, $0xb8;
	[tilespmem:$0x1F140] =	vst v63  }
0x11a: {  	_ =	swait.ge [sflag:s24], $0x4000  }
0x11b: {  	[sflag:s24] =	ssyncset.done $0x0  }
0x11c: {  	[sflag:s24] =	ssyncadd.s32 $0xFFFFC000  }
0x11d: {  	[spmem:s1] =	stream.indirect.scatter.add.f32 [tilespmem:s20], [sflag:$0x4], $0x80, s25, s18, $0xb8;
	[tilespmem:$0x1F140] =	vst v63  }
0x11e: {  	_ =	swait.ge [sflag:s26], $0x4000  }
0x11f: {  	[sflag:s26] =	ssyncset.done $0x0  }
0x120: {  	[sflag:s26] =	ssyncadd.s32 $0xFFFFC000  }
0x121: {  	v4 =	vld [tilespmem:s16+$0x5180];
	_ =	sdelay $0x4  }
0x122: {  	vm0 =	vge.s32 v4, v2;
	vm1 =	vlt.s32 v4, v3  }
0x123: {  	v4 =	vsub.s32 v4, v2;
	vm0 =	vmand vm0, vm1  }
0x124: {  	v4 =	vnsel vm0, $0xD80, v4  }
0x125: {  	[tilespmem:$0x18480] =	vst v4  }
0x126: {  	v4 =	vld [tilespmem:s16+$0x5190];
	_ =	sdelay $0x4  }
0x127: {  	vm0 =	vge.s32 v4, v2;
	vm1 =	vlt.s32 v4, v3  }
0x128: {  	v4 =	vsub.s32 v4, v2;
	vm0 =	vmand vm0, vm1  }
0x129: {  	v4 =	vnsel vm0, $0xD80, v4  }
0x12a: {  	[tilespmem:$0x18490] =	vst v4  }
0x12b: {  	v4 =	vld [tilespmem:s16+$0x51A0];
	_ =	sdelay $0x4  }
0x12c: {  	vm0 =	vge.s32 v4, v2;
	vm1 =	vlt.s32 v4, v3  }
0x12d: {  	v4 =	vsub.s32 v4, v2;
	vm0 =	vmand vm0, vm1  }
0x12e: {  	v4 =	vnsel vm0, $0xD80, v4  }
0x12f: {  	[tilespmem:$0x184A0] =	vst v4  }
0x130: {  	v4 =	vld [tilespmem:s16+$0x51B0];
	_ =	sdelay $0x4  }
0x131: {  	vm0 =	vge.s32 v4, v2;
	vm1 =	vlt.s32 v4, v3  }
0x132: {  	v4 =	vsub.s32 v4, v2;
	vm0 =	vmand vm0, vm1  }
0x133: {  	v4 =	vnsel vm0, $0xD80, v4  }
0x134: {  	[tilespmem:$0x184B0] =	vst v4  }
0x135: {  	v4 =	vld [tilespmem:s16+$0x51C0];
	_ =	sdelay $0x4  }
0x136: {  	vm0 =	vge.s32 v4, v2;
	vm1 =	vlt.s32 v4, v3  }
0x137: {  	v4 =	vsub.s32 v4, v2;
	vm0 =	vmand vm0, vm1  }
0x138: {  	v4 =	vnsel vm0, $0xD80, v4  }
0x139: {  	[tilespmem:$0x184C0] =	vst v4  }
0x13a: {  	v4 =	vld [tilespmem:s16+$0x51D0];
	_ =	sdelay $0x4  }
0x13b: {  	vm0 =	vge.s32 v4, v2;
	vm1 =	vlt.s32 v4, v3  }
0x13c: {  	v4 =	vsub.s32 v4, v2;
	vm0 =	vmand vm0, vm1  }
0x13d: {  	v4 =	vnsel vm0, $0xD80, v4  }
0x13e: {  	[tilespmem:$0x184D0] =	vst v4  }
0x13f: {  	v4 =	vld [tilespmem:s16+$0x51E0];
	_ =	sdelay $0x4  }
0x140: {  	vm0 =	vge.s32 v4, v2;
	vm1 =	vlt.s32 v4, v3  }
0x141: {  	v4 =	vsub.s32 v4, v2;
	vm0 =	vmand vm0, vm1  }
0x142: {  	v4 =	vnsel vm0, $0xD80, v4  }
0x143: {  	[tilespmem:$0x184E0] =	vst v4  }
0x144: {  	v4 =	vld [tilespmem:s16+$0x51F0];
	_ =	sdelay $0x4  }
0x145: {  	vm0 =	vge.s32 v4, v2;
	vm1 =	vlt.s32 v4, v3  }
0x146: {  	v4 =	vsub.s32 v4, v2;
	vm0 =	vmand vm0, vm1  }
0x147: {  	v4 =	vnsel vm0, $0xD80, v4  }
0x148: {  	s0 =	sadd.s32 $0x180, s16;
	[tilespmem:$0x184F0] =	vst v4  }
0x149: {  	[tilespmem:s20], [sflag:$0x2] =	stream.indirect.gather [hbm4b:s4+s18], $0x80, s0, s18, $0xb8;
	[tilespmem:$0x1F140] =	vst v63  }
0x14a: {  	_ =	swait.ge [sflag:s21], $0x4000  }
.Ltmp7:
0x14b: {  	[sflag:s21] =	ssyncset.done $0x0;
	(pc) =	sbr.rel @p1 .LBB2_8-.Ltmp7, $4  }
0x14c: {  	[sflag:s21] =	ssyncadd.s32 $0xFFFFC000  }
0x14d: {  	[spmem:s1] =	stream.indirect.scatter.add.f32 [tilespmem:s19], [sflag:$0x3], $0x80, s22, s18, $0xb8;
	[tilespmem:$0x1F140] =	vst v63  }
0x14e: {  	_ =	swait.ge [sflag:s23], $0x4000  }
0x14f: {  	s0 =	smov.u32 s6;
	[sflag:s23] =	ssyncset.done $0x0  }
0x150: {  	s0 =	sshra.s32 s31, $0x2;
	[sflag:s23] =	ssyncadd.s32 $0xFFFFC000  }
0x151: {  	v4 =	vld [tilespmem:s0+$0x5100];
	_ =	sdelay $0x4  }
0x152: {  	vm0 =	vge.s32 v4, v2;
	vm1 =	vlt.s32 v4, v3  }
0x153: {  	v4 =	vsub.s32 v4, v2;
	vm0 =	vmand vm0, vm1  }
0x154: {  	v4 =	vnsel vm0, $0xD80, v4  }
0x155: {  	[tilespmem:$0x18400] =	vst v4  }
0x156: {  	v4 =	vld [tilespmem:s0+$0x5110];
	_ =	sdelay $0x4  }
0x157: {  	vm10 =	vge.s32 v4, v2;
	vm11 =	vlt.s32 v4, v3  }
0x158: {  	v4 =	vsub.s32 v4, v2;
	vm0 =	vmand vm10, vm11  }
0x159: {  	v4 =	vnsel vm0, $0xD80, v4  }
0x15a: {  	[tilespmem:$0x18410] =	vst v4  }
0x15b: {  	v4 =	vld [tilespmem:s0+$0x5120];
	_ =	sdelay $0x4  }
0x15c: {  	vm12 =	vge.s32 v4, v2;
	vm13 =	vlt.s32 v4, v3  }
0x15d: {  	v4 =	vsub.s32 v4, v2;
	vm0 =	vmand vm12, vm13  }
0x15e: {  	v4 =	vnsel vm0, $0xD80, v4  }
0x15f: {  	[tilespmem:$0x18420] =	vst v4  }
0x160: {  	v4 =	vld [tilespmem:s0+$0x5130];
	_ =	sdelay $0x4  }
0x161: {  	vm14 =	vge.s32 v4, v2;
	vm15 =	vlt.s32 v4, v3  }
0x162: {  	v4 =	vsub.s32 v4, v2;
	vm0 =	vmand vm14, vm15  }
0x163: {  	v4 =	vnsel vm0, $0xD80, v4  }
0x164: {  	[tilespmem:$0x18430] =	vst v4  }
0x165: {  	v4 =	vld [tilespmem:s0+$0x5140];
	_ =	sdelay $0x4  }
0x166: {  	vm4 =	vge.s32 v4, v2;
	vm5 =	vlt.s32 v4, v3  }
0x167: {  	v4 =	vsub.s32 v4, v2;
	vm0 =	vmand vm4, vm5  }
0x168: {  	v4 =	vnsel vm0, $0xD80, v4  }
0x169: {  	[tilespmem:$0x18440] =	vst v4  }
0x16a: {  	v4 =	vld [tilespmem:s0+$0x5150];
	_ =	sdelay $0x4  }
0x16b: {  	vm6 =	vge.s32 v4, v2;
	vm7 =	vlt.s32 v4, v3  }
0x16c: {  	v4 =	vsub.s32 v4, v2;
	vm0 =	vmand vm6, vm7  }
0x16d: {  	v4 =	vnsel vm0, $0xD80, v4  }
0x16e: {  	[tilespmem:$0x18450] =	vst v4  }
0x16f: {  	v4 =	vld [tilespmem:s0+$0x5160];
	_ =	sdelay $0x4  }
0x170: {  	vm8 =	vge.s32 v4, v2;
	vm9 =	vlt.s32 v4, v3  }
0x171: {  	v4 =	vsub.s32 v4, v2;
	vm0 =	vmand vm8, vm9  }
0x172: {  	v4 =	vnsel vm0, $0xD80, v4  }
0x173: {  	[tilespmem:$0x18460] =	vst v4  }
0x174: {  	v4 =	vld [tilespmem:s0+$0x5170];
	_ =	sdelay $0x4  }
0x175: {  	vm10 =	vge.s32 v4, v2;
	vm11 =	vlt.s32 v4, v3  }
0x176: {  	v4 =	vsub.s32 v4, v2;
	vm0 =	vmand vm10, vm11  }
0x177: {  	v4 =	vnsel vm0, $0xD80, v4  }
0x178: {  	s6 =	sadd.s32 $0x100, s0;
	[tilespmem:$0x18470] =	vst v4  }
0x179: {  	[tilespmem:s19], [sflag:$0x1] =	stream.indirect.gather [hbm4b:s4+s18], $0x80, s6, s18, $0xb8;
	[tilespmem:$0x1F140] =	vst v63  }
0x17a: {  	_ =	swait.ge [sflag:s24], $0x4000  }
0x17b: {  	[sflag:s24] =	ssyncset.done $0x0  }
0x17c: {  	[sflag:s24] =	ssyncadd.s32 $0xFFFFC000  }
0x17d: {  	[spmem:s1] =	stream.indirect.scatter.add.f32 [tilespmem:s20], [sflag:$0x4], $0x80, s25, s18, $0xb8;
	[tilespmem:$0x1F140] =	vst v63  }
0x17e: {  	_ =	swait.ge [sflag:s26], $0x4000  }
0x17f: {  	[sflag:s26] =	ssyncset.done $0x0  }
0x180: {  	[sflag:s26] =	ssyncadd.s32 $0xFFFFC000  }
0x181: {  	v4 =	vld [tilespmem:s0+$0x5180];
	_ =	sdelay $0x4  }
0x182: {  	vm12 =	vge.s32 v4, v2;
	vm13 =	vlt.s32 v4, v3  }
0x183: {  	v4 =	vsub.s32 v4, v2;
	vm0 =	vmand vm12, vm13  }
0x184: {  	v4 =	vnsel vm0, $0xD80, v4  }
0x185: {  	[tilespmem:$0x18480] =	vst v4  }
0x186: {  	v4 =	vld [tilespmem:s0+$0x5190];
	_ =	sdelay $0x4  }
0x187: {  	vm14 =	vge.s32 v4, v2;
	vm15 =	vlt.s32 v4, v3  }
0x188: {  	v4 =	vsub.s32 v4, v2;
	vm0 =	vmand vm14, vm15  }
0x189: {  	v4 =	vnsel vm0, $0xD80, v4  }
0x18a: {  	[tilespmem:$0x18490] =	vst v4  }
0x18b: {  	v4 =	vld [tilespmem:s0+$0x51A0];
	_ =	sdelay $0x4  }
0x18c: {  	vm4 =	vge.s32 v4, v2;
	vm5 =	vlt.s32 v4, v3  }
0x18d: {  	v4 =	vsub.s32 v4, v2;
	vm0 =	vmand vm4, vm5  }
0x18e: {  	v4 =	vnsel vm0, $0xD80, v4  }
0x18f: {  	[tilespmem:$0x184A0] =	vst v4  }
0x190: {  	v4 =	vld [tilespmem:s0+$0x51B0];
	_ =	sdelay $0x4  }
0x191: {  	vm6 =	vge.s32 v4, v2;
	vm7 =	vlt.s32 v4, v3  }
0x192: {  	v4 =	vsub.s32 v4, v2;
	vm0 =	vmand vm6, vm7  }
0x193: {  	v4 =	vnsel vm0, $0xD80, v4  }
0x194: {  	[tilespmem:$0x184B0] =	vst v4  }
0x195: {  	v4 =	vld [tilespmem:s0+$0x51C0];
	_ =	sdelay $0x4  }
0x196: {  	vm8 =	vge.s32 v4, v2;
	vm9 =	vlt.s32 v4, v3  }
0x197: {  	v4 =	vsub.s32 v4, v2;
	vm0 =	vmand vm8, vm9  }
0x198: {  	v4 =	vnsel vm0, $0xD80, v4  }
0x199: {  	[tilespmem:$0x184C0] =	vst v4  }
0x19a: {  	v4 =	vld [tilespmem:s0+$0x51D0];
	_ =	sdelay $0x4  }
0x19b: {  	vm10 =	vge.s32 v4, v2;
	vm11 =	vlt.s32 v4, v3  }
0x19c: {  	v4 =	vsub.s32 v4, v2;
	vm0 =	vmand vm10, vm11  }
0x19d: {  	v4 =	vnsel vm0, $0xD80, v4  }
0x19e: {  	[tilespmem:$0x184D0] =	vst v4  }
0x19f: {  	v4 =	vld [tilespmem:s0+$0x51E0];
	_ =	sdelay $0x4  }
0x1a0: {  	vm12 =	vge.s32 v4, v2;
	vm13 =	vlt.s32 v4, v3  }
0x1a1: {  	v4 =	vsub.s32 v4, v2;
	vm0 =	vmand vm12, vm13  }
0x1a2: {  	v4 =	vnsel vm0, $0xD80, v4  }
0x1a3: {  	[tilespmem:$0x184E0] =	vst v4  }
0x1a4: {  	v4 =	vld [tilespmem:s0+$0x51F0];
	_ =	sdelay $0x4  }
0x1a5: {  	vm14 =	vge.s32 v4, v2;
	vm15 =	vlt.s32 v4, v3  }
0x1a6: {  	v4 =	vsub.s32 v4, v2;
	vm0 =	vmand vm14, vm15  }
0x1a7: {  	v4 =	vnsel vm0, $0xD80, v4  }
0x1a8: {  	s0 =	sadd.s32 $0x180, s0;
	[tilespmem:$0x184F0] =	vst v4  }
0x1a9: {  	[tilespmem:s20], [sflag:$0x2] =	stream.indirect.gather [hbm4b:s4+s18], $0x80, s0, s18, $0xb8;
	[tilespmem:$0x1F140] =	vst v63  }
0x1aa: {  	_ =	swait.ge [sflag:s21], $0x4000  }
0x1ab: {  	[sflag:s21] =	ssyncset.done $0x0  }
0x1ac: {  	[sflag:s21] =	ssyncadd.s32 $0xFFFFC000  }
0x1ad: {  	[spmem:s1] =	stream.indirect.scatter.add.f32 [tilespmem:s19], [sflag:$0x3], $0x80, s22, s18, $0xb8;
	[tilespmem:$0x1F140] =	vst v63  }
0x1ae: {  	_ =	swait.ge [sflag:s23], $0x4000  }
0x1af: {  	[sflag:s23] =	ssyncset.done $0x0  }
0x1b0: {  	[sflag:s23] =	ssyncadd.s32 $0xFFFFC000  }
0x1b1: {  	_ =	swait.ge [sflag:s24], $0x4000  }
0x1b2: {  	p1 =	slt.u32 s29, $0x3;
	[sflag:s24] =	ssyncset.done $0x0  }
.Ltmp8:
0x1b3: {  	[sflag:s24] =	ssyncadd.s32 $0xFFFFC000;
	(pc) =	sbr.rel @p1 .LBB2_13-.Ltmp8, $4  }
0x1b4: {  	[spmem:s1] =	stream.indirect.scatter.add.f32 [tilespmem:s20], [sflag:$0x4], $0x80, s25, s18, $0xb8;
	[tilespmem:$0x1F140] =	vst v63  }
0x1b5: {  	_ =	swait.ge [sflag:s26], $0x4000  }
0x1b6: {  	[sflag:s26] =	ssyncset.done $0x0  }
0x1b7: {  	s0 =	simm.s32 $0x0;
	[sflag:s26] =	ssyncadd.s32 $0xFFFFC000  }
.LBB2_10:
0x1b8: {  	p1 =	por $0x1, $0x1  }
0x1b9: {  	s0 =	simm.s32 @!p1 $0x3  }
0x1ba: {  	_ =	swait.ge @!p1 [sflag:s0], $0x4000  }
0x1bb: {  	[sflag:s0] =	ssyncset.done @!p1 $0x0  }
0x1bc: {  	s16 =	simm.s32 $0x0;
	[sflag:s0] =	ssyncadd.s32 @!p1 $0xFFFFC000  }
0x1bd: {  	v4 =	vld [tilespmem:s16+$0x5000];
	_ =	sdelay $0x4  }
0x1be: {  	vm0 =	vge.s32 v4, v2;
	vm1 =	vlt.s32 v4, v3  }
0x1bf: {  	v4 =	vsub.s32 v4, v2;
	vm0 =	vmand vm0, vm1  }
0x1c0: {  	v4 =	vnsel vm0, $0xD80, v4  }
0x1c1: {  	[tilespmem:$0x18400] =	vst v4  }
0x1c2: {  	v4 =	vld [tilespmem:s16+$0x5010];
	_ =	sdelay $0x4  }
0x1c3: {  	vm10 =	vge.s32 v4, v2;
	vm11 =	vlt.s32 v4, v3  }
0x1c4: {  	v4 =	vsub.s32 v4, v2;
	vm0 =	vmand vm10, vm11  }
0x1c5: {  	v4 =	vnsel vm0, $0xD80, v4  }
0x1c6: {  	[tilespmem:$0x18410] =	vst v4  }
0x1c7: {  	v4 =	vld [tilespmem:s16+$0x5020];
	_ =	sdelay $0x4  }
0x1c8: {  	vm12 =	vge.s32 v4, v2;
	vm13 =	vlt.s32 v4, v3  }
0x1c9: {  	v4 =	vsub.s32 v4, v2;
	vm0 =	vmand vm12, vm13  }
0x1ca: {  	v4 =	vnsel vm0, $0xD80, v4  }
0x1cb: {  	[tilespmem:$0x18420] =	vst v4  }
0x1cc: {  	v4 =	vld [tilespmem:s16+$0x5030];
	_ =	sdelay $0x4  }
0x1cd: {  	vm14 =	vge.s32 v4, v2;
	vm15 =	vlt.s32 v4, v3  }
0x1ce: {  	v4 =	vsub.s32 v4, v2;
	vm0 =	vmand vm14, vm15  }
0x1cf: {  	v4 =	vnsel vm0, $0xD80, v4  }
0x1d0: {  	[tilespmem:$0x18430] =	vst v4  }
0x1d1: {  	v4 =	vld [tilespmem:s16+$0x5040];
	_ =	sdelay $0x4  }
0x1d2: {  	vm4 =	vge.s32 v4, v2;
	vm5 =	vlt.s32 v4, v3  }
0x1d3: {  	v4 =	vsub.s32 v4, v2;
	vm0 =	vmand vm4, vm5  }
0x1d4: {  	v4 =	vnsel vm0, $0xD80, v4  }
0x1d5: {  	[tilespmem:$0x18440] =	vst v4  }
0x1d6: {  	v4 =	vld [tilespmem:s16+$0x5050];
	_ =	sdelay $0x4  }
0x1d7: {  	vm6 =	vge.s32 v4, v2;
	vm7 =	vlt.s32 v4, v3  }
0x1d8: {  	v4 =	vsub.s32 v4, v2;
	vm0 =	vmand vm6, vm7  }
0x1d9: {  	v4 =	vnsel vm0, $0xD80, v4  }
0x1da: {  	[tilespmem:$0x18450] =	vst v4  }
0x1db: {  	v4 =	vld [tilespmem:s16+$0x5060];
	_ =	sdelay $0x4  }
0x1dc: {  	vm8 =	vge.s32 v4, v2;
	vm9 =	vlt.s32 v4, v3  }
0x1dd: {  	v4 =	vsub.s32 v4, v2;
	vm0 =	vmand vm8, vm9  }
0x1de: {  	v4 =	vnsel vm0, $0xD80, v4  }
0x1df: {  	[tilespmem:$0x18460] =	vst v4  }
0x1e0: {  	v4 =	vld [tilespmem:s16+$0x5070];
	_ =	sdelay $0x4  }
0x1e1: {  	vm10 =	vge.s32 v4, v2;
	vm11 =	vlt.s32 v4, v3  }
0x1e2: {  	v4 =	vsub.s32 v4, v2;
	vm0 =	vmand vm10, vm11  }
0x1e3: {  	v4 =	vnsel vm0, $0xD80, v4  }
0x1e4: {  	s6 =	simm.s32 @!p1 $0x4;
	[tilespmem:$0x18470] =	vst v4  }
0x1e5: {  	[spmem:s1] =	stream.indirect.scatter.add.f32 [tilespmem:s28], [sflag:$0x3], $0x80, s22, s18, $0xb8;
	[tilespmem:$0x1F140] =	vst v63  }
0x1e6: {  	_ =	swait.ge @!p1 [sflag:s6], $0x4000  }
0x1e7: {  	[sflag:s6] =	ssyncset.done @!p1 $0x0  }
0x1e8: {  	[sflag:s6] =	ssyncadd.s32 @!p1 $0xFFFFC000  }
0x1e9: {  	v4 =	vld [tilespmem:s16+$0x5080];
	_ =	sdelay $0x4  }
0x1ea: {  	vm12 =	vge.s32 v4, v2;
	vm13 =	vlt.s32 v4, v3  }
0x1eb: {  	v4 =	vsub.s32 v4, v2;
	vm0 =	vmand vm12, vm13  }
0x1ec: {  	v4 =	vnsel vm0, $0xD80, v4  }
0x1ed: {  	[tilespmem:$0x18480] =	vst v4  }
0x1ee: {  	v4 =	vld [tilespmem:s16+$0x5090];
	_ =	sdelay $0x4  }
0x1ef: {  	vm14 =	vge.s32 v4, v2;
	vm15 =	vlt.s32 v4, v3  }
0x1f0: {  	v4 =	vsub.s32 v4, v2;
	vm0 =	vmand vm14, vm15  }
0x1f1: {  	v4 =	vnsel vm0, $0xD80, v4  }
0x1f2: {  	[tilespmem:$0x18490] =	vst v4  }
0x1f3: {  	v4 =	vld [tilespmem:s16+$0x50A0];
	_ =	sdelay $0x4  }
0x1f4: {  	vm4 =	vge.s32 v4, v2;
	vm5 =	vlt.s32 v4, v3  }
0x1f5: {  	v4 =	vsub.s32 v4, v2;
	vm0 =	vmand vm4, vm5  }
0x1f6: {  	v4 =	vnsel vm0, $0xD80, v4  }
0x1f7: {  	[tilespmem:$0x184A0] =	vst v4  }
0x1f8: {  	v4 =	vld [tilespmem:s16+$0x50B0];
	_ =	sdelay $0x4  }
0x1f9: {  	vm6 =	vge.s32 v4, v2;
	vm7 =	vlt.s32 v4, v3  }
0x1fa: {  	v4 =	vsub.s32 v4, v2;
	vm0 =	vmand vm6, vm7  }
0x1fb: {  	v4 =	vnsel vm0, $0xD80, v4  }
0x1fc: {  	[tilespmem:$0x184B0] =	vst v4  }
0x1fd: {  	v4 =	vld [tilespmem:s16+$0x50C0];
	_ =	sdelay $0x4  }
0x1fe: {  	vm8 =	vge.s32 v4, v2;
	vm9 =	vlt.s32 v4, v3  }
0x1ff: {  	v4 =	vsub.s32 v4, v2;
	vm0 =	vmand vm8, vm9  }
0x200: {  	v4 =	vnsel vm0, $0xD80, v4  }
0x201: {  	[tilespmem:$0x184C0] =	vst v4  }
0x202: {  	v4 =	vld [tilespmem:s16+$0x50D0];
	_ =	sdelay $0x4  }
0x203: {  	vm10 =	vge.s32 v4, v2;
	vm11 =	vlt.s32 v4, v3  }
0x204: {  	v4 =	vsub.s32 v4, v2;
	vm0 =	vmand vm10, vm11  }
0x205: {  	v4 =	vnsel vm0, $0xD80, v4  }
0x206: {  	[tilespmem:$0x184D0] =	vst v4  }
0x207: {  	v4 =	vld [tilespmem:s16+$0x50E0];
	_ =	sdelay $0x4  }
0x208: {  	vm12 =	vge.s32 v4, v2;
	vm13 =	vlt.s32 v4, v3  }
0x209: {  	v4 =	vsub.s32 v4, v2;
	vm0 =	vmand vm12, vm13  }
0x20a: {  	v4 =	vnsel vm0, $0xD80, v4  }
0x20b: {  	[tilespmem:$0x184E0] =	vst v4  }
0x20c: {  	v4 =	vld [tilespmem:s16+$0x50F0];
	_ =	sdelay $0x4  }
0x20d: {  	vm14 =	vge.s32 v4, v2;
	vm15 =	vlt.s32 v4, v3  }
0x20e: {  	v4 =	vsub.s32 v4, v2;
	vm0 =	vmand vm14, vm15  }
0x20f: {  	s31 =	simm.s32 $0x400;
	p2 =	por $0x0, $0x0;
	s0 =	simm.s32 $0x800;
	v4 =	vnsel vm0, $0xD80, v4  }
.LBB2_11:
0x210: {  	s6 =	simm.s32 @!p2 $0x3;
	[tilespmem:$0x184F0] =	vst v4;
	s7 =	smov.u32 s0;
	s0 =	sadd.s32 $0x400, s0  }
0x211: {  	[spmem:s1] =	stream.indirect.scatter.add.f32 [tilespmem:s28], [sflag:$0x4], $0x80, s25, s18, $0xb8;
	[tilespmem:$0x1F140] =	vst v63  }
0x212: {  	p1 =	sne.s32 s0, $0x14000;
	_ =	swait.ge @!p2 [sflag:s6], $0x4000  }
0x213: {  	[sflag:s6] =	ssyncset.done @!p2 $0x0  }
0x214: {  	s16 =	sshra.s32 s31, $0x2;
	s31 =	smov.u32 s7;
	[sflag:s6] =	ssyncadd.s32 @!p2 $0xFFFFC000  }
0x215: {  	v4 =	vld [tilespmem:s16+$0x5000];
	_ =	sdelay $0x4  }
0x216: {  	vm0 =	vge.s32 v4, v2;
	vm1 =	vlt.s32 v4, v3  }
0x217: {  	v4 =	vsub.s32 v4, v2;
	vm0 =	vmand vm0, vm1  }
0x218: {  	v4 =	vnsel vm0, $0xD80, v4  }
0x219: {  	[tilespmem:$0x18400] =	vst v4  }
0x21a: {  	v4 =	vld [tilespmem:s16+$0x5010];
	_ =	sdelay $0x4  }
0x21b: {  	vm0 =	vge.s32 v4, v2;
	vm1 =	vlt.s32 v4, v3  }
0x21c: {  	v4 =	vsub.s32 v4, v2;
	vm0 =	vmand vm0, vm1  }
0x21d: {  	v4 =	vnsel vm0, $0xD80, v4  }
0x21e: {  	[tilespmem:$0x18410] =	vst v4  }
0x21f: {  	v4 =	vld [tilespmem:s16+$0x5020];
	_ =	sdelay $0x4  }
0x220: {  	vm0 =	vge.s32 v4, v2;
	vm1 =	vlt.s32 v4, v3  }
0x221: {  	v4 =	vsub.s32 v4, v2;
	vm0 =	vmand vm0, vm1  }
0x222: {  	v4 =	vnsel vm0, $0xD80, v4  }
0x223: {  	[tilespmem:$0x18420] =	vst v4  }
0x224: {  	v4 =	vld [tilespmem:s16+$0x5030];
	_ =	sdelay $0x4  }
0x225: {  	vm0 =	vge.s32 v4, v2;
	vm1 =	vlt.s32 v4, v3  }
0x226: {  	v4 =	vsub.s32 v4, v2;
	vm0 =	vmand vm0, vm1  }
0x227: {  	v4 =	vnsel vm0, $0xD80, v4  }
0x228: {  	[tilespmem:$0x18430] =	vst v4  }
0x229: {  	v4 =	vld [tilespmem:s16+$0x5040];
	_ =	sdelay $0x4  }
0x22a: {  	vm0 =	vge.s32 v4, v2;
	vm1 =	vlt.s32 v4, v3  }
0x22b: {  	v4 =	vsub.s32 v4, v2;
	vm0 =	vmand vm0, vm1  }
0x22c: {  	v4 =	vnsel vm0, $0xD80, v4  }
0x22d: {  	[tilespmem:$0x18440] =	vst v4  }
0x22e: {  	v4 =	vld [tilespmem:s16+$0x5050];
	_ =	sdelay $0x4  }
0x22f: {  	vm0 =	vge.s32 v4, v2;
	vm1 =	vlt.s32 v4, v3  }
0x230: {  	v4 =	vsub.s32 v4, v2;
	vm0 =	vmand vm0, vm1  }
0x231: {  	v4 =	vnsel vm0, $0xD80, v4  }
0x232: {  	[tilespmem:$0x18450] =	vst v4  }
0x233: {  	v4 =	vld [tilespmem:s16+$0x5060];
	_ =	sdelay $0x4  }
0x234: {  	vm0 =	vge.s32 v4, v2;
	vm1 =	vlt.s32 v4, v3  }
0x235: {  	v4 =	vsub.s32 v4, v2;
	vm0 =	vmand vm0, vm1  }
0x236: {  	v4 =	vnsel vm0, $0xD80, v4  }
0x237: {  	[tilespmem:$0x18460] =	vst v4  }
0x238: {  	v4 =	vld [tilespmem:s16+$0x5070];
	_ =	sdelay $0x4  }
0x239: {  	vm0 =	vge.s32 v4, v2;
	vm1 =	vlt.s32 v4, v3  }
0x23a: {  	v4 =	vsub.s32 v4, v2;
	vm0 =	vmand vm0, vm1  }
0x23b: {  	v4 =	vnsel vm0, $0xD80, v4  }
0x23c: {  	s6 =	simm.s32 @!p2 $0x4;
	[tilespmem:$0x18470] =	vst v4  }
0x23d: {  	[spmem:s1] =	stream.indirect.scatter.add.f32 [tilespmem:s28], [sflag:$0x3], $0x80, s22, s18, $0xb8;
	[tilespmem:$0x1F140] =	vst v63  }
0x23e: {  	_ =	swait.ge @!p2 [sflag:s6], $0x4000  }
0x23f: {  	[sflag:s6] =	ssyncset.done @!p2 $0x0  }
0x240: {  	[sflag:s6] =	ssyncadd.s32 @!p2 $0xFFFFC000  }
0x241: {  	v4 =	vld [tilespmem:s16+$0x5080];
	_ =	sdelay $0x4  }
0x242: {  	vm0 =	vge.s32 v4, v2;
	vm1 =	vlt.s32 v4, v3  }
0x243: {  	v4 =	vsub.s32 v4, v2;
	vm0 =	vmand vm0, vm1  }
0x244: {  	v4 =	vnsel vm0, $0xD80, v4  }
0x245: {  	[tilespmem:$0x18480] =	vst v4  }
0x246: {  	v4 =	vld [tilespmem:s16+$0x5090];
	_ =	sdelay $0x4  }
0x247: {  	vm0 =	vge.s32 v4, v2;
	vm1 =	vlt.s32 v4, v3  }
0x248: {  	v4 =	vsub.s32 v4, v2;
	vm0 =	vmand vm0, vm1  }
0x249: {  	v4 =	vnsel vm0, $0xD80, v4  }
0x24a: {  	[tilespmem:$0x18490] =	vst v4  }
0x24b: {  	v4 =	vld [tilespmem:s16+$0x50A0];
	_ =	sdelay $0x4  }
0x24c: {  	vm0 =	vge.s32 v4, v2;
	vm1 =	vlt.s32 v4, v3  }
0x24d: {  	v4 =	vsub.s32 v4, v2;
	vm0 =	vmand vm0, vm1  }
0x24e: {  	v4 =	vnsel vm0, $0xD80, v4  }
0x24f: {  	[tilespmem:$0x184A0] =	vst v4  }
0x250: {  	v4 =	vld [tilespmem:s16+$0x50B0];
	_ =	sdelay $0x4  }
0x251: {  	vm0 =	vge.s32 v4, v2;
	vm1 =	vlt.s32 v4, v3  }
0x252: {  	v4 =	vsub.s32 v4, v2;
	vm0 =	vmand vm0, vm1  }
0x253: {  	v4 =	vnsel vm0, $0xD80, v4  }
0x254: {  	[tilespmem:$0x184B0] =	vst v4  }
0x255: {  	v4 =	vld [tilespmem:s16+$0x50C0];
	_ =	sdelay $0x4  }
0x256: {  	vm0 =	vge.s32 v4, v2;
	vm1 =	vlt.s32 v4, v3  }
0x257: {  	v4 =	vsub.s32 v4, v2;
	vm0 =	vmand vm0, vm1  }
0x258: {  	v4 =	vnsel vm0, $0xD80, v4  }
0x259: {  	[tilespmem:$0x184C0] =	vst v4  }
0x25a: {  	v4 =	vld [tilespmem:s16+$0x50D0];
	_ =	sdelay $0x4  }
0x25b: {  	vm0 =	vge.s32 v4, v2;
	vm1 =	vlt.s32 v4, v3  }
0x25c: {  	v4 =	vsub.s32 v4, v2;
	vm0 =	vmand vm0, vm1  }
0x25d: {  	v4 =	vnsel vm0, $0xD80, v4  }
0x25e: {  	[tilespmem:$0x184D0] =	vst v4  }
0x25f: {  	v4 =	vld [tilespmem:s16+$0x50E0];
	_ =	sdelay $0x4  }
0x260: {  	vm0 =	vge.s32 v4, v2;
	vm1 =	vlt.s32 v4, v3  }
0x261: {  	v4 =	vsub.s32 v4, v2;
	vm0 =	vmand vm0, vm1  }
0x262: {  	v4 =	vnsel vm0, $0xD80, v4  }
0x263: {  	[tilespmem:$0x184E0] =	vst v4  }
0x264: {  	v4 =	vld [tilespmem:s16+$0x50F0];
	_ =	sdelay $0x2  }
.Ltmp9:
0x265: {  	(pc) =	sbr.rel @p1 .LBB2_11-.Ltmp9, $4  }
0x266: {  	_ = 	snop  }
0x267: {  	vm0 =	vge.s32 v4, v2;
	vm1 =	vlt.s32 v4, v3  }
0x268: {  	v4 =	vsub.s32 v4, v2;
	vm0 =	vmand vm0, vm1  }
0x269: {  	p2 =	seq.s32 s31, $0x0;
	v4 =	vnsel vm0, $0xD80, v4  }
0x26a: {  	s0 =	simm.s32 @!p2 $0x3;
	[tilespmem:$0x184F0] =	vst v4  }
0x26b: {  	[spmem:s1] =	stream.indirect.scatter.add.f32 [tilespmem:s28], [sflag:$0x4], $0x80, s25, s18, $0xb8;
	[tilespmem:$0x1F140] =	vst v63  }
0x26c: {  	_ =	swait.ge @!p2 [sflag:s0], $0x4000  }
0x26d: {  	[sflag:s0] =	ssyncset.done @!p2 $0x0  }
0x26e: {  	s31 =	sshra.s32 s31, $0x2;
	[sflag:s0] =	ssyncadd.s32 @!p2 $0xFFFFC000  }
0x26f: {  	v62 =	vld [tilespmem:s31+$0x5000];
	_ =	sdelay $0x4  }
0x270: {  	vm0 =	vge.s32 v62, v2;
	vm1 =	vlt.s32 v62, v3  }
0x271: {  	v4 =	vsub.s32 v62, v2;
	vm0 =	vmand vm0, vm1  }
0x272: {  	v4 =	vnsel vm0, $0xD80, v4  }
0x273: {  	[tilespmem:$0x18400] =	vst v4  }
0x274: {  	v4 =	vld [tilespmem:s31+$0x5010];
	_ =	sdelay $0x4  }
0x275: {  	vm10 =	vge.s32 v4, v2;
	vm11 =	vlt.s32 v4, v3  }
0x276: {  	v4 =	vsub.s32 v4, v2;
	vm0 =	vmand vm10, vm11  }
0x277: {  	v4 =	vnsel vm0, $0xD80, v4  }
0x278: {  	[tilespmem:$0x18410] =	vst v4  }
0x279: {  	v4 =	vld [tilespmem:s31+$0x5020];
	_ =	sdelay $0x4  }
0x27a: {  	vm12 =	vge.s32 v4, v2;
	vm13 =	vlt.s32 v4, v3  }
0x27b: {  	v4 =	vsub.s32 v4, v2;
	vm0 =	vmand vm12, vm13  }
0x27c: {  	v4 =	vnsel vm0, $0xD80, v4  }
0x27d: {  	[tilespmem:$0x18420] =	vst v4  }
0x27e: {  	v4 =	vld [tilespmem:s31+$0x5030];
	_ =	sdelay $0x4  }
0x27f: {  	vm14 =	vge.s32 v4, v2;
	vm15 =	vlt.s32 v4, v3  }
0x280: {  	v4 =	vsub.s32 v4, v2;
	vm0 =	vmand vm14, vm15  }
0x281: {  	v4 =	vnsel vm0, $0xD80, v4  }
0x282: {  	[tilespmem:$0x18430] =	vst v4  }
0x283: {  	v4 =	vld [tilespmem:s31+$0x5040];
	_ =	sdelay $0x4  }
0x284: {  	vm4 =	vge.s32 v4, v2;
	vm5 =	vlt.s32 v4, v3  }
0x285: {  	v4 =	vsub.s32 v4, v2;
	vm0 =	vmand vm4, vm5  }
0x286: {  	v4 =	vnsel vm0, $0xD80, v4  }
0x287: {  	[tilespmem:$0x18440] =	vst v4  }
0x288: {  	v4 =	vld [tilespmem:s31+$0x5050];
	_ =	sdelay $0x4  }
0x289: {  	vm6 =	vge.s32 v4, v2;
	vm7 =	vlt.s32 v4, v3  }
0x28a: {  	v4 =	vsub.s32 v4, v2;
	vm0 =	vmand vm6, vm7  }
0x28b: {  	v4 =	vnsel vm0, $0xD80, v4  }
0x28c: {  	[tilespmem:$0x18450] =	vst v4  }
0x28d: {  	v4 =	vld [tilespmem:s31+$0x5060];
	_ =	sdelay $0x4  }
0x28e: {  	vm8 =	vge.s32 v4, v2;
	vm9 =	vlt.s32 v4, v3  }
0x28f: {  	v4 =	vsub.s32 v4, v2;
	vm0 =	vmand vm8, vm9  }
0x290: {  	v4 =	vnsel vm0, $0xD80, v4  }
0x291: {  	[tilespmem:$0x18460] =	vst v4  }
0x292: {  	v4 =	vld [tilespmem:s31+$0x5070];
	_ =	sdelay $0x4  }
0x293: {  	vm10 =	vge.s32 v4, v2;
	vm11 =	vlt.s32 v4, v3  }
0x294: {  	v4 =	vsub.s32 v4, v2;
	vm0 =	vmand vm10, vm11  }
0x295: {  	v4 =	vnsel vm0, $0xD80, v4  }
0x296: {  	s6 =	simm.s32 @!p2 $0x4;
	[tilespmem:$0x18470] =	vst v4  }
0x297: {  	[spmem:s1] =	stream.indirect.scatter.add.f32 [tilespmem:s28], [sflag:$0x3], $0x80, s22, s18, $0xb8;
	[tilespmem:$0x1F140] =	vst v63  }
0x298: {  	_ =	swait.ge @!p2 [sflag:s6], $0x4000  }
0x299: {  	[sflag:s6] =	ssyncset.done @!p2 $0x0  }
0x29a: {  	[sflag:s6] =	ssyncadd.s32 @!p2 $0xFFFFC000  }
0x29b: {  	v63 =	vld [tilespmem:s31+$0x5080];
	_ =	sdelay $0x4  }
0x29c: {  	vm12 =	vge.s32 v63, v2;
	vm13 =	vlt.s32 v63, v3  }
0x29d: {  	v4 =	vsub.s32 v63, v2;
	vm0 =	vmand vm12, vm13  }
0x29e: {  	v4 =	vnsel vm0, $0xD80, v4  }
0x29f: {  	[tilespmem:$0x18480] =	vst v4  }
0x2a0: {  	v4 =	vld [tilespmem:s31+$0x5090];
	_ =	sdelay $0x4  }
0x2a1: {  	vm14 =	vge.s32 v4, v2;
	vm15 =	vlt.s32 v4, v3  }
0x2a2: {  	v4 =	vsub.s32 v4, v2;
	vm0 =	vmand vm14, vm15  }
0x2a3: {  	v4 =	vnsel vm0, $0xD80, v4  }
0x2a4: {  	[tilespmem:$0x18490] =	vst v4  }
0x2a5: {  	v4 =	vld [tilespmem:s31+$0x50A0];
	_ =	sdelay $0x4  }
0x2a6: {  	vm4 =	vge.s32 v4, v2;
	vm5 =	vlt.s32 v4, v3  }
0x2a7: {  	v4 =	vsub.s32 v4, v2;
	vm0 =	vmand vm4, vm5  }
0x2a8: {  	v4 =	vnsel vm0, $0xD80, v4  }
0x2a9: {  	[tilespmem:$0x184A0] =	vst v4  }
0x2aa: {  	v4 =	vld [tilespmem:s31+$0x50B0];
	_ =	sdelay $0x4  }
0x2ab: {  	vm6 =	vge.s32 v4, v2;
	vm7 =	vlt.s32 v4, v3  }
0x2ac: {  	v4 =	vsub.s32 v4, v2;
	vm0 =	vmand vm6, vm7  }
0x2ad: {  	v4 =	vnsel vm0, $0xD80, v4  }
0x2ae: {  	[tilespmem:$0x184B0] =	vst v4  }
0x2af: {  	v4 =	vld [tilespmem:s31+$0x50C0];
	_ =	sdelay $0x4  }
0x2b0: {  	vm8 =	vge.s32 v4, v2;
	vm9 =	vlt.s32 v4, v3  }
0x2b1: {  	v4 =	vsub.s32 v4, v2;
	vm0 =	vmand vm8, vm9  }
0x2b2: {  	v4 =	vnsel vm0, $0xD80, v4  }
0x2b3: {  	[tilespmem:$0x184C0] =	vst v4  }
0x2b4: {  	v4 =	vld [tilespmem:s31+$0x50D0];
	_ =	sdelay $0x4  }
0x2b5: {  	vm10 =	vge.s32 v4, v2;
	vm11 =	vlt.s32 v4, v3  }
0x2b6: {  	v4 =	vsub.s32 v4, v2;
	vm0 =	vmand vm10, vm11  }
0x2b7: {  	v4 =	vnsel vm0, $0xD80, v4  }
0x2b8: {  	[tilespmem:$0x184D0] =	vst v4  }
0x2b9: {  	v4 =	vld [tilespmem:s31+$0x50E0];
	_ =	sdelay $0x4  }
0x2ba: {  	vm12 =	vge.s32 v4, v2;
	vm13 =	vlt.s32 v4, v3  }
0x2bb: {  	v4 =	vsub.s32 v4, v2;
	vm0 =	vmand vm12, vm13  }
0x2bc: {  	v4 =	vnsel vm0, $0xD80, v4  }
0x2bd: {  	[tilespmem:$0x184E0] =	vst v4  }
0x2be: {  	v4 =	vld [tilespmem:s31+$0x50F0];
	_ =	sdelay $0x4  }
0x2bf: {  	vm14 =	vge.s32 v4, v2;
	vm15 =	vlt.s32 v4, v3  }
0x2c0: {  	v2 =	vsub.s32 v4, v2;
	vm0 =	vmand vm14, vm15  }
0x2c1: {  	v2 =	vnsel vm0, $0xD80, v2  }
0x2c2: {  	[tilespmem:$0x184F0] =	vst v2  }
0x2c3: {  	[spmem:s1] =	stream.indirect.scatter.add.f32 [tilespmem:s28], [sflag:$0x4], $0x80, s25, s18, $0xb8;
	[tilespmem:$0x1F140] =	vst v63  }
0x2c4: {  	_ =	swait.ge [sflag:s23], $0x4000  }
.Ltmp10:
0x2c5: {  	[sflag:s23] =	ssyncset.done $0x0;
	(pc) =	sbr.rel .LBB2_13-.Ltmp10, $4  }
0x2c6: {  	[sflag:s23] =	ssyncadd.s32 $0xFFFFC000  }
0x2c7: {  	_ =	swait.ge [sflag:s26], $0x4000  }
0x2c8: {  	[sflag:s26] =	ssyncset.done $0x0  }
0x2c9: {  	s0 =	simm.s32 $0x144000;
	[sflag:s26] =	ssyncadd.s32 $0xFFFFC000  }
.LBB2_15:
0x2ca: {  	_ =	sfence.sel $0x180000  }
0x2cb: {  	[bflag:$0x0] =	sbarrier.arrive $0xFFFF  }
0x2cc: {  	_ =	strace $0x90000047  }
0x2cd: {  	[bflag:$0x2] =	sbarrier.arrive $0xFFFF  }
0x2ce: {  	s0 =	rddreg [dreg:$0x3]  }
0x2cf: {  	s0 =	sadd.s32 @!p0 $0x100000, s0  }
0x2d0: {  	[sflag:s0] =	ssyncadd.tile.s32 @!p0 $0x1;
	_ =	shalt  }
.Lfunc_end2:
_tile_overlayer_lowered:
.L_overlay_start_2:
0x2d1: {  	(tag) =	ssettag $0x2  }
0x2d2: {  	s0 =	rddreg [dreg:$0x0];
	s2 =	stileid.u32  }
0x2d3: {  	s1 =	rddreg [dreg:$0x1];
	p0 =	sne.s32 s2, $0x0  }
0x2d4: {  	s3 =	rddreg [dreg:$0x2];
	[bflag:$0x3] =	sbarrier.arrive $0xFFFF;
	s2 =	simm.s32 @!p0 $0x1C05  }
0x2d5: {  	[timem:s3], [sflag:s2] =	dma.local @!p0 [hbm:s0], s1  }
0x2d6: {  	s0 =	simm.s32 @!p0 $0x5  }
0x2d7: {  	_ =	swait.ge @!p0 [sflag:s0], s1  }
0x2d8: {  	s1 =	ssub.s32 @!p0 $0x0, s1;
	[sflag:s0] =	ssyncset.done @!p0 $0x0  }
0x2d9: {  	[sflag:s0] =	ssyncadd.s32 @!p0 s1  }
0x2da: {  	[bflag:$0x3] =	sbarrier.arrive $0xFFFF  }
0x2db: {  	_ =	shalt  }

</sc_bundles>
